<compile_context>
chip_gen: v7x
topology: tpu7x:2x2x1
jax: 0.10.2.dev20260603
libtpu: 0.0.44.dev20260713+nightly
codegen_flags: <defaults>
</compile_context>

<pallas_src>
import functools

import jax
import jax.numpy as jnp
from jax import lax
from jax.experimental import pallas as pl
from jax.experimental.pallas import tpu as pltpu
from jax.experimental.pallas import tpu_sc as plsc

_info = plsc.get_sparse_core_info()
_NC, _NS, _L = _info.num_cores, _info.num_subcores, _info.num_lanes
_NW = _NC * _NS


@functools.lru_cache(maxsize=None)
def _make_kernel(B, D, C):
    rows_per_w = B // _NW
    n_chunks = rows_per_w // C
    mesh = plsc.VectorSubcoreMesh(core_axis_name="c", subcore_axis_name="s")

    @functools.partial(
        pl.kernel,
        mesh=mesh,
        compiler_params=pltpu.CompilerParams(needs_layout_passes=False),
        out_type=[
            jax.ShapeDtypeStruct((B,), jnp.float32),
            jax.ShapeDtypeStruct((B,), jnp.float32),
        ],
        scratch_types=[
            pltpu.VMEM((n_chunks, C), jnp.int32),
            pltpu.VMEM((n_chunks, C), jnp.int32),
            pltpu.VMEM((n_chunks, C), jnp.int32),
            pltpu.VMEM((C, D), jnp.float32),
            pltpu.VMEM((C, D), jnp.float32),
            pltpu.VMEM((C, D), jnp.float32),
            pltpu.VMEM((C, D), jnp.float32),
            pltpu.VMEM((C, D), jnp.float32),
            pltpu.VMEM((C, D), jnp.float32),
            pltpu.VMEM((n_chunks, C), jnp.float32),
            pltpu.VMEM((n_chunks, C), jnp.float32),
            pltpu.SemaphoreType.DMA,
            pltpu.SemaphoreType.DMA,
            pltpu.SemaphoreType.DMA,
        ],
    )
    def mf_kernel(user_h, item_i_h, item_j_h, eu_h, ei_h,
                  out_i_h, out_j_h,
                  uidx, iidx, jidx, eu0, ei0, ej0, eu1, ei1, ej1,
                  oi_v, oj_v, gsem0, gsem1, ssem):
        wid = lax.axis_index("s") * _NC + lax.axis_index("c")
        base = wid * rows_per_w
        eu_s = (eu0, eu1)
        ei_s = (ei0, ei1)
        ej_s = (ej0, ej1)
        gsem = (gsem0, gsem1)
        lane = lax.iota(jnp.int32, _L)

        n_groups = C // _L
        rows = [jnp.full((_L,), g * _L, jnp.int32) + lane
                for g in range(n_groups)]
        zeros = tuple(jnp.zeros((_L,), jnp.float32) for _ in range(n_groups))

        def compute_chunk(c, eu_v, ei_v, ej_v):
            def d_body(d, carry):
                accs_i = list(carry[0])
                accs_j = list(carry[1])
                offs = (lane + d) & (D - 1)
                for g in range(n_groups):
                    eu = plsc.load_gather(eu_v, [rows[g], offs])
                    ei = plsc.load_gather(ei_v, [rows[g], offs])
                    ej = plsc.load_gather(ej_v, [rows[g], offs])
                    accs_i[g] = accs_i[g] + eu * ei
                    accs_j[g] = accs_j[g] + eu * ej
                return tuple(accs_i), tuple(accs_j)

            accs_i, accs_j = lax.fori_loop(0, D, d_body, (zeros, zeros))
            for g in range(n_groups):
                oi_v[c, pl.ds(g * _L, _L)] = accs_i[g]
                oj_v[c, pl.ds(g * _L, _L)] = accs_j[g]
            return (
                pltpu.async_copy(
                    oi_v.at[c], out_i_h.at[pl.ds(base + c * C, C)], ssem),
                pltpu.async_copy(
                    oj_v.at[c], out_j_h.at[pl.ds(base + c * C, C)], ssem),
            )

        def stage_and_fire(c, slot):
            pltpu.sync_copy(user_h.at[pl.ds(base + c * C, C)], uidx.at[slot])
            pltpu.sync_copy(item_i_h.at[pl.ds(base + c * C, C)],
                            iidx.at[slot])
            pltpu.sync_copy(item_j_h.at[pl.ds(base + c * C, C)],
                            jidx.at[slot])
            return (
                pltpu.async_copy(eu_h.at[uidx.at[slot]], eu_s[slot],
                                 gsem[slot]),
                pltpu.async_copy(ei_h.at[iidx.at[slot]], ei_s[slot],
                                 gsem[slot]),
                pltpu.async_copy(ei_h.at[jidx.at[slot]], ej_s[slot],
                                 gsem[slot]),
            )

        def pair_body(p, carry):
            c0 = p * 2
            cp0 = stage_and_fire(c0, 0)
            cp1 = stage_and_fire(c0 + 1, 1)
            for cp in cp0:
                cp.wait()
            s0 = compute_chunk(c0, eu0, ei0, ej0)
            for cp in cp1:
                cp.wait()
            s1 = compute_chunk(c0 + 1, eu1, ei1, ej1)
            for cp in s0 + s1:
                cp.wait()
            return carry

        lax.fori_loop(0, n_chunks // 2, pair_body, 0)

    return mf_kernel

def kernel(user, item_i, item_j, embed_user, embed_item):
    B = user.shape[0]
    D = embed_user.shape[1]
    k = _make_kernel(B, D, 128)
    out_i, out_j = k(user.astype(jnp.int32), item_i.astype(jnp.int32),
                     item_j.astype(jnp.int32), embed_user, embed_item)
    return (out_i, out_j)

# --- scband reference (transcript-rebuilt; emitter-appended) ---
"""Pipeline reference for scband-mf-macr-5231270167247 (READ-ONLY COPY).

The authoritative reference and input builder live on the scoring server;
editing this copy changes nothing except your own understanding.
"""

import jax, jax.numpy as jnp
import numpy as np

USER_NUM = 100000
ITEM_NUM = 100000
FACTOR = 128
BATCH = 16384

def setup_inputs(seed: int = 0) -> dict:
    key = jax.random.key(seed)
    k1, k2, k3, k4, k5 = jax.random.split(key, 5)
    user = jax.random.randint(k1, (BATCH,), 0, USER_NUM, dtype=jnp.int64 if jax.config.jax_enable_x64 else jnp.int32)
    item_i = jax.random.randint(k2, (BATCH,), 0, ITEM_NUM, dtype=jnp.int64 if jax.config.jax_enable_x64 else jnp.int32)
    item_j = jax.random.randint(k3, (BATCH,), 0, ITEM_NUM, dtype=jnp.int64 if jax.config.jax_enable_x64 else jnp.int32)
    embed_user = jax.random.normal(k4, (USER_NUM, FACTOR), dtype=jnp.float32) * 0.01
    embed_item = jax.random.normal(k5, (ITEM_NUM, FACTOR), dtype=jnp.float32) * 0.01
    return {"user": user, "item_i": item_i, "item_j": item_j,
            "embed_user": embed_user, "embed_item": embed_item}

def _forward_one_item(embed_user, embed_item, user, item):
    eu = jnp.take(embed_user, user, axis=0)
    ei = jnp.take(embed_item, item, axis=0)
    pred = jnp.sum(eu * ei, axis=1)
    return pred.reshape(-1)

def reference(user, item_i, item_j, embed_user, embed_item):
    prediction_i = _forward_one_item(embed_user, embed_item, user, item_i)
    prediction_j = _forward_one_item(embed_user, embed_item, user, item_j)
    return (prediction_i, prediction_j)

if __name__ == "__main__":
    import jax
    _d = setup_inputs()
    print(jax.jit(kernel)(*tuple(_d.values())))

</pallas_src>

<mosaic_0001>
#map = affine_map<(d0, d1) -> (0)>
#map1 = affine_map<(d0, d1) -> (0, 0)>
module attributes {stable_mosaic.version = 14 : i64} {
  func.func @mf_kernel(%arg0: i32, %arg1: i32, %arg2: memref<16384xi32, #tpu.memory_space<hbm>>, %arg3: memref<16384xi32, #tpu.memory_space<hbm>>, %arg4: memref<16384xi32, #tpu.memory_space<hbm>>, %arg5: memref<100000x128xf32, #tpu.memory_space<hbm>>, %arg6: memref<100000x128xf32, #tpu.memory_space<hbm>>, %arg7: memref<16384xf32, #tpu.memory_space<hbm>>, %arg8: memref<16384xf32, #tpu.memory_space<hbm>>, %arg9: memref<4x128xi32, #tpu.memory_space<vmem>>, %arg10: memref<4x128xi32, #tpu.memory_space<vmem>>, %arg11: memref<4x128xi32, #tpu.memory_space<vmem>>, %arg12: memref<128x128xf32, #tpu.memory_space<vmem>>, %arg13: memref<128x128xf32, #tpu.memory_space<vmem>>, %arg14: memref<128x128xf32, #tpu.memory_space<vmem>>, %arg15: memref<128x128xf32, #tpu.memory_space<vmem>>, %arg16: memref<128x128xf32, #tpu.memory_space<vmem>>, %arg17: memref<128x128xf32, #tpu.memory_space<vmem>>, %arg18: memref<4x128xf32, #tpu.memory_space<vmem>>, %arg19: memref<4x128xf32, #tpu.memory_space<vmem>>, %arg20: memref<!tpu.dma_semaphore, #tpu.memory_space<semaphore_mem>>, %arg21: memref<!tpu.dma_semaphore, #tpu.memory_space<semaphore_mem>>, %arg22: memref<!tpu.dma_semaphore, #tpu.memory_space<semaphore_mem>>) attributes {dimension_semantics = [#tpu.dimension_semantics<core_parallel>, #tpu.dimension_semantics<subcore_parallel>], iteration_bounds = array<i64: 2, 16>, scalar_prefetch = 0 : i64, scratch_operands = 14 : i64, tpu.core_type = #tpu.core_type<sc_vector_subcore>, window_params = [{transform_indices = #map}, {transform_indices = #map}, {transform_indices = #map}, {transform_indices = #map1}, {transform_indices = #map1}, {transform_indices = #map}, {transform_indices = #map}]} {
    %mul3A = arith.constant 2 : i32
    %mul3A_0 = arith.muli %arg1, %mul3A : i32
    %add3A = arith.addi %mul3A_0, %arg0 : i32
    %mul3A_1 = arith.constant 512 : i32
    %mul3A_2 = arith.muli %add3A, %mul3A_1 : i32
    %iota3A = tpu.iota {dimensions = array<i32: 0>} : vector<16xi32>
    %broadcast_in_dim3A = arith.constant 0 : i32
    %broadcast_in_dim3A_3 = vector.broadcast %broadcast_in_dim3A : i32 to vector<16xi32>
    %add3A_4 = arith.addi %broadcast_in_dim3A_3, %iota3A : vector<16xi32>
    %broadcast_in_dim3A_5 = arith.constant 16 : i32
    %broadcast_in_dim3A_6 = vector.broadcast %broadcast_in_dim3A_5 : i32 to vector<16xi32>
    %add3A_7 = arith.addi %broadcast_in_dim3A_6, %iota3A : vector<16xi32>
    %broadcast_in_dim3A_8 = arith.constant 32 : i32
    %broadcast_in_dim3A_9 = vector.broadcast %broadcast_in_dim3A_8 : i32 to vector<16xi32>
    %add3A_10 = arith.addi %broadcast_in_dim3A_9, %iota3A : vector<16xi32>
    %broadcast_in_dim3A_11 = arith.constant 48 : i32
    %broadcast_in_dim3A_12 = vector.broadcast %broadcast_in_dim3A_11 : i32 to vector<16xi32>
    %add3A_13 = arith.addi %broadcast_in_dim3A_12, %iota3A : vector<16xi32>
    %broadcast_in_dim3A_14 = arith.constant 64 : i32
    %broadcast_in_dim3A_15 = vector.broadcast %broadcast_in_dim3A_14 : i32 to vector<16xi32>
    %add3A_16 = arith.addi %broadcast_in_dim3A_15, %iota3A : vector<16xi32>
    %broadcast_in_dim3A_17 = arith.constant 80 : i32
    %broadcast_in_dim3A_18 = vector.broadcast %broadcast_in_dim3A_17 : i32 to vector<16xi32>
    %add3A_19 = arith.addi %broadcast_in_dim3A_18, %iota3A : vector<16xi32>
    %broadcast_in_dim3A_20 = arith.constant 96 : i32
    %broadcast_in_dim3A_21 = vector.broadcast %broadcast_in_dim3A_20 : i32 to vector<16xi32>
    %add3A_22 = arith.addi %broadcast_in_dim3A_21, %iota3A : vector<16xi32>
    %broadcast_in_dim3A_23 = arith.constant 112 : i32
    %broadcast_in_dim3A_24 = vector.broadcast %broadcast_in_dim3A_23 : i32 to vector<16xi32>
    %add3A_25 = arith.addi %broadcast_in_dim3A_24, %iota3A : vector<16xi32>
    %broadcast_in_dim3A_26 = arith.constant 0.000000e+00 : f32
    %broadcast_in_dim3A_27 = vector.broadcast %broadcast_in_dim3A_26 : f32 to vector<16xf32>
    %broadcast_in_dim3A_28 = arith.constant 0.000000e+00 : f32
    %broadcast_in_dim3A_29 = vector.broadcast %broadcast_in_dim3A_28 : f32 to vector<16xf32>
    %broadcast_in_dim3A_30 = arith.constant 0.000000e+00 : f32
    %broadcast_in_dim3A_31 = vector.broadcast %broadcast_in_dim3A_30 : f32 to vector<16xf32>
    %broadcast_in_dim3A_32 = arith.constant 0.000000e+00 : f32
    %broadcast_in_dim3A_33 = vector.broadcast %broadcast_in_dim3A_32 : f32 to vector<16xf32>
    %broadcast_in_dim3A_34 = arith.constant 0.000000e+00 : f32
    %broadcast_in_dim3A_35 = vector.broadcast %broadcast_in_dim3A_34 : f32 to vector<16xf32>
    %broadcast_in_dim3A_36 = arith.constant 0.000000e+00 : f32
    %broadcast_in_dim3A_37 = vector.broadcast %broadcast_in_dim3A_36 : f32 to vector<16xf32>
    %broadcast_in_dim3A_38 = arith.constant 0.000000e+00 : f32
    %broadcast_in_dim3A_39 = vector.broadcast %broadcast_in_dim3A_38 : f32 to vector<16xf32>
    %broadcast_in_dim3A_40 = arith.constant 0.000000e+00 : f32
    %broadcast_in_dim3A_41 = vector.broadcast %broadcast_in_dim3A_40 : f32 to vector<16xf32>
    %scan3A = arith.constant 0 : i32
    %scan3A_42 = arith.constant 0 : i32
    %scan3A_43 = arith.constant 2 : i32
    %scan3A_44 = arith.addi %scan3A_42, %scan3A_43 : i32
    %scan3A_45 = arith.constant 1 : i32
    scf.for %scan3A_47 = %scan3A_42 to %scan3A_44 step %scan3A_45  : i32 {
      %mul3A_48 = arith.constant 2 : i32
      %mul3A_49 = arith.muli %scan3A_47, %mul3A_48 : i32
      %mul3A_50 = arith.constant 128 : i32
      %mul3A_51 = arith.muli %mul3A_49, %mul3A_50 : i32
      %add3A_52 = arith.addi %mul3A_2, %mul3A_51 : i32
      %run_scoped3A = arith.constant 0 : i32
      "tpu.region"() ({
        %run_scoped3A_342 = tpu.sem_alloc : memref<!tpu.dma_semaphore, #tpu.memory_space<semaphore_mem>>
        %dma_start3A_343 = arith.constant 0 : i32
        %dma_start3A_344 = tpu.memref_slice %arg9[%run_scoped3A, %dma_start3A_343] : memref<4x128xi32, #tpu.memory_space<vmem>> -> memref<1x128xi32, #tpu.memory_space<vmem>>
        %dma_start3A_345 = tpu.memref_squeeze %dma_start3A_344 : memref<1x128xi32, #tpu.memory_space<vmem>> -> memref<128xi32, #tpu.memory_space<vmem>>
        %dma_start3A_346 = tpu.memref_slice %arg2[%add3A_52] : memref<16384xi32, #tpu.memory_space<hbm>> -> memref<128xi32, #tpu.memory_space<hbm>>
        %dma_start3A_347 = arith.constant 0 : i32
        %dma_start3A_348 = tpu.memref_slice %arg9[%run_scoped3A, %dma_start3A_347] : memref<4x128xi32, #tpu.memory_space<vmem>> -> memref<1x128xi32, #tpu.memory_space<vmem>>
        %dma_start3A_349 = tpu.memref_squeeze %dma_start3A_348 : memref<1x128xi32, #tpu.memory_space<vmem>> -> memref<128xi32, #tpu.memory_space<vmem>>
        %dma_start3A_350 = tpu.memref_slice %arg2[%add3A_52] : memref<16384xi32, #tpu.memory_space<hbm>> -> memref<128xi32, #tpu.memory_space<hbm>>
        tpu.enqueue_dma source(%dma_start3A_350 : memref<128xi32, #tpu.memory_space<hbm>>) target(%dma_start3A_349 : memref<128xi32, #tpu.memory_space<vmem>>) target_semaphore(%run_scoped3A_342 : memref<!tpu.dma_semaphore, #tpu.memory_space<semaphore_mem>>)
        %dma_wait3A_351 = arith.constant 0 : i32
        %dma_wait3A_352 = tpu.memref_slice %arg9[%run_scoped3A, %dma_wait3A_351] : memref<4x128xi32, #tpu.memory_space<vmem>> -> memref<1x128xi32, #tpu.memory_space<vmem>>
        %dma_wait3A_353 = tpu.memref_squeeze %dma_wait3A_352 : memref<1x128xi32, #tpu.memory_space<vmem>> -> memref<128xi32, #tpu.memory_space<vmem>>
        %dma_wait3A_354 = tpu.memref_slice %arg2[%add3A_52] : memref<16384xi32, #tpu.memory_space<hbm>> -> memref<128xi32, #tpu.memory_space<hbm>>
        %dma_wait3A_355 = arith.constant 0 : i32
        %dma_wait3A_356 = tpu.memref_slice %arg9[%run_scoped3A, %dma_wait3A_355] : memref<4x128xi32, #tpu.memory_space<vmem>> -> memref<1x128xi32, #tpu.memory_space<vmem>>
        %dma_wait3A_357 = tpu.memref_squeeze %dma_wait3A_356 : memref<1x128xi32, #tpu.memory_space<vmem>> -> memref<128xi32, #tpu.memory_space<vmem>>
        %dma_wait3A_358 = tpu.memref_slice %arg2[%add3A_52] : memref<16384xi32, #tpu.memory_space<hbm>> -> memref<128xi32, #tpu.memory_space<hbm>>
        tpu.wait_dma2 semaphore(%run_scoped3A_342 : memref<!tpu.dma_semaphore, #tpu.memory_space<semaphore_mem>>) src(%dma_wait3A_358 : memref<128xi32, #tpu.memory_space<hbm>>) dst(%dma_wait3A_357 : memref<128xi32, #tpu.memory_space<vmem>>)
        tpu.yield
      }) : () -> ()
      %mul3A_53 = arith.constant 128 : i32
      %mul3A_54 = arith.muli %mul3A_49, %mul3A_53 : i32
      %add3A_55 = arith.addi %mul3A_2, %mul3A_54 : i32
      %run_scoped3A_56 = arith.constant 0 : i32
      "tpu.region"() ({
        %run_scoped3A_342 = tpu.sem_alloc : memref<!tpu.dma_semaphore, #tpu.memory_space<semaphore_mem>>
        %dma_start3A_343 = arith.constant 0 : i32
        %dma_start3A_344 = tpu.memref_slice %arg10[%run_scoped3A_56, %dma_start3A_343] : memref<4x128xi32, #tpu.memory_space<vmem>> -> memref<1x128xi32, #tpu.memory_space<vmem>>
        %dma_start3A_345 = tpu.memref_squeeze %dma_start3A_344 : memref<1x128xi32, #tpu.memory_space<vmem>> -> memref<128xi32, #tpu.memory_space<vmem>>
        %dma_start3A_346 = tpu.memref_slice %arg3[%add3A_55] : memref<16384xi32, #tpu.memory_space<hbm>> -> memref<128xi32, #tpu.memory_space<hbm>>
        %dma_start3A_347 = arith.constant 0 : i32
        %dma_start3A_348 = tpu.memref_slice %arg10[%run_scoped3A_56, %dma_start3A_347] : memref<4x128xi32, #tpu.memory_space<vmem>> -> memref<1x128xi32, #tpu.memory_space<vmem>>
        %dma_start3A_349 = tpu.memref_squeeze %dma_start3A_348 : memref<1x128xi32, #tpu.memory_space<vmem>> -> memref<128xi32, #tpu.memory_space<vmem>>
        %dma_start3A_350 = tpu.memref_slice %arg3[%add3A_55] : memref<16384xi32, #tpu.memory_space<hbm>> -> memref<128xi32, #tpu.memory_space<hbm>>
        tpu.enqueue_dma source(%dma_start3A_350 : memref<128xi32, #tpu.memory_space<hbm>>) target(%dma_start3A_349 : memref<128xi32, #tpu.memory_space<vmem>>) target_semaphore(%run_scoped3A_342 : memref<!tpu.dma_semaphore, #tpu.memory_space<semaphore_mem>>)
        %dma_wait3A_351 = arith.constant 0 : i32
        %dma_wait3A_352 = tpu.memref_slice %arg10[%run_scoped3A_56, %dma_wait3A_351] : memref<4x128xi32, #tpu.memory_space<vmem>> -> memref<1x128xi32, #tpu.memory_space<vmem>>
        %dma_wait3A_353 = tpu.memref_squeeze %dma_wait3A_352 : memref<1x128xi32, #tpu.memory_space<vmem>> -> memref<128xi32, #tpu.memory_space<vmem>>
        %dma_wait3A_354 = tpu.memref_slice %arg3[%add3A_55] : memref<16384xi32, #tpu.memory_space<hbm>> -> memref<128xi32, #tpu.memory_space<hbm>>
        %dma_wait3A_355 = arith.constant 0 : i32
        %dma_wait3A_356 = tpu.memref_slice %arg10[%run_scoped3A_56, %dma_wait3A_355] : memref<4x128xi32, #tpu.memory_space<vmem>> -> memref<1x128xi32, #tpu.memory_space<vmem>>
        %dma_wait3A_357 = tpu.memref_squeeze %dma_wait3A_356 : memref<1x128xi32, #tpu.memory_space<vmem>> -> memref<128xi32, #tpu.memory_space<vmem>>
        %dma_wait3A_358 = tpu.memref_slice %arg3[%add3A_55] : memref<16384xi32, #tpu.memory_space<hbm>> -> memref<128xi32, #tpu.memory_space<hbm>>
        tpu.wait_dma2 semaphore(%run_scoped3A_342 : memref<!tpu.dma_semaphore, #tpu.memory_space<semaphore_mem>>) src(%dma_wait3A_358 : memref<128xi32, #tpu.memory_space<hbm>>) dst(%dma_wait3A_357 : memref<128xi32, #tpu.memory_space<vmem>>)
        tpu.yield
      }) : () -> ()
      %mul3A_57 = arith.constant 128 : i32
      %mul3A_58 = arith.muli %mul3A_49, %mul3A_57 : i32
      %add3A_59 = arith.addi %mul3A_2, %mul3A_58 : i32
      %run_scoped3A_60 = arith.constant 0 : i32
      "tpu.region"() ({
        %run_scoped3A_342 = tpu.sem_alloc : memref<!tpu.dma_semaphore, #tpu.memory_space<semaphore_mem>>
        %dma_start3A_343 = arith.constant 0 : i32
        %dma_start3A_344 = tpu.memref_slice %arg11[%run_scoped3A_60, %dma_start3A_343] : memref<4x128xi32, #tpu.memory_space<vmem>> -> memref<1x128xi32, #tpu.memory_space<vmem>>
        %dma_start3A_345 = tpu.memref_squeeze %dma_start3A_344 : memref<1x128xi32, #tpu.memory_space<vmem>> -> memref<128xi32, #tpu.memory_space<vmem>>
        %dma_start3A_346 = tpu.memref_slice %arg4[%add3A_59] : memref<16384xi32, #tpu.memory_space<hbm>> -> memref<128xi32, #tpu.memory_space<hbm>>
        %dma_start3A_347 = arith.constant 0 : i32
        %dma_start3A_348 = tpu.memref_slice %arg11[%run_scoped3A_60, %dma_start3A_347] : memref<4x128xi32, #tpu.memory_space<vmem>> -> memref<1x128xi32, #tpu.memory_space<vmem>>
        %dma_start3A_349 = tpu.memref_squeeze %dma_start3A_348 : memref<1x128xi32, #tpu.memory_space<vmem>> -> memref<128xi32, #tpu.memory_space<vmem>>
        %dma_start3A_350 = tpu.memref_slice %arg4[%add3A_59] : memref<16384xi32, #tpu.memory_space<hbm>> -> memref<128xi32, #tpu.memory_space<hbm>>
        tpu.enqueue_dma source(%dma_start3A_350 : memref<128xi32, #tpu.memory_space<hbm>>) target(%dma_start3A_349 : memref<128xi32, #tpu.memory_space<vmem>>) target_semaphore(%run_scoped3A_342 : memref<!tpu.dma_semaphore, #tpu.memory_space<semaphore_mem>>)
        %dma_wait3A_351 = arith.constant 0 : i32
        %dma_wait3A_352 = tpu.memref_slice %arg11[%run_scoped3A_60, %dma_wait3A_351] : memref<4x128xi32, #tpu.memory_space<vmem>> -> memref<1x128xi32, #tpu.memory_space<vmem>>
        %dma_wait3A_353 = tpu.memref_squeeze %dma_wait3A_352 : memref<1x128xi32, #tpu.memory_space<vmem>> -> memref<128xi32, #tpu.memory_space<vmem>>
        %dma_wait3A_354 = tpu.memref_slice %arg4[%add3A_59] : memref<16384xi32, #tpu.memory_space<hbm>> -> memref<128xi32, #tpu.memory_space<hbm>>
        %dma_wait3A_355 = arith.constant 0 : i32
        %dma_wait3A_356 = tpu.memref_slice %arg11[%run_scoped3A_60, %dma_wait3A_355] : memref<4x128xi32, #tpu.memory_space<vmem>> -> memref<1x128xi32, #tpu.memory_space<vmem>>
        %dma_wait3A_357 = tpu.memref_squeeze %dma_wait3A_356 : memref<1x128xi32, #tpu.memory_space<vmem>> -> memref<128xi32, #tpu.memory_space<vmem>>
        %dma_wait3A_358 = tpu.memref_slice %arg4[%add3A_59] : memref<16384xi32, #tpu.memory_space<hbm>> -> memref<128xi32, #tpu.memory_space<hbm>>
        tpu.wait_dma2 semaphore(%run_scoped3A_342 : memref<!tpu.dma_semaphore, #tpu.memory_space<semaphore_mem>>) src(%dma_wait3A_358 : memref<128xi32, #tpu.memory_space<hbm>>) dst(%dma_wait3A_357 : memref<128xi32, #tpu.memory_space<vmem>>)
        tpu.yield
      }) : () -> ()
      %dma_start3A = arith.constant 0 : i32
      %dma_start3A_61 = arith.constant 0 : i32
      %dma_start3A_62 = tpu.memref_slice %arg9[%dma_start3A, %dma_start3A_61] : memref<4x128xi32, #tpu.memory_space<vmem>> -> memref<1x128xi32, #tpu.memory_space<vmem>>
      %dma_start3A_63 = tpu.memref_squeeze %dma_start3A_62 : memref<1x128xi32, #tpu.memory_space<vmem>> -> memref<128xi32, #tpu.memory_space<vmem>>
      %dma_start3A_64 = arith.constant 0 : i32
      %dma_start3A_65 = arith.constant 0 : i32
      %dma_start3A_66 = tpu.memref_slice %arg5[%dma_start3A_64, %dma_start3A_65] : memref<100000x128xf32, #tpu.memory_space<hbm>> -> memref<100000x128xf32, #tpu.memory_space<hbm>>
      tpu.enqueue_indirect_dma source(%dma_start3A_66 : memref<100000x128xf32, #tpu.memory_space<hbm>>) target(%arg12 : memref<128x128xf32, #tpu.memory_space<vmem>>) offsets(%dma_start3A_63 : memref<128xi32, #tpu.memory_space<vmem>>) semaphore(%arg20 : memref<!tpu.dma_semaphore, #tpu.memory_space<semaphore_mem>>)
      %dma_start3A_67 = arith.constant 0 : i32
      %dma_start3A_68 = arith.constant 0 : i32
      %dma_start3A_69 = tpu.memref_slice %arg10[%dma_start3A_67, %dma_start3A_68] : memref<4x128xi32, #tpu.memory_space<vmem>> -> memref<1x128xi32, #tpu.memory_space<vmem>>
      %dma_start3A_70 = tpu.memref_squeeze %dma_start3A_69 : memref<1x128xi32, #tpu.memory_space<vmem>> -> memref<128xi32, #tpu.memory_space<vmem>>
      %dma_start3A_71 = arith.constant 0 : i32
      %dma_start3A_72 = arith.constant 0 : i32
      %dma_start3A_73 = tpu.memref_slice %arg6[%dma_start3A_71, %dma_start3A_72] : memref<100000x128xf32, #tpu.memory_space<hbm>> -> memref<100000x128xf32, #tpu.memory_space<hbm>>
      tpu.enqueue_indirect_dma source(%dma_start3A_73 : memref<100000x128xf32, #tpu.memory_space<hbm>>) target(%arg13 : memref<128x128xf32, #tpu.memory_space<vmem>>) offsets(%dma_start3A_70 : memref<128xi32, #tpu.memory_space<vmem>>) semaphore(%arg20 : memref<!tpu.dma_semaphore, #tpu.memory_space<semaphore_mem>>)
      %dma_start3A_74 = arith.constant 0 : i32
      %dma_start3A_75 = arith.constant 0 : i32
      %dma_start3A_76 = tpu.memref_slice %arg11[%dma_start3A_74, %dma_start3A_75] : memref<4x128xi32, #tpu.memory_space<vmem>> -> memref<1x128xi32, #tpu.memory_space<vmem>>
      %dma_start3A_77 = tpu.memref_squeeze %dma_start3A_76 : memref<1x128xi32, #tpu.memory_space<vmem>> -> memref<128xi32, #tpu.memory_space<vmem>>
      %dma_start3A_78 = arith.constant 0 : i32
      %dma_start3A_79 = arith.constant 0 : i32
      %dma_start3A_80 = tpu.memref_slice %arg6[%dma_start3A_78, %dma_start3A_79] : memref<100000x128xf32, #tpu.memory_space<hbm>> -> memref<100000x128xf32, #tpu.memory_space<hbm>>
      tpu.enqueue_indirect_dma source(%dma_start3A_80 : memref<100000x128xf32, #tpu.memory_space<hbm>>) target(%arg14 : memref<128x128xf32, #tpu.memory_space<vmem>>) offsets(%dma_start3A_77 : memref<128xi32, #tpu.memory_space<vmem>>) semaphore(%arg20 : memref<!tpu.dma_semaphore, #tpu.memory_space<semaphore_mem>>)
      %add3A_81 = arith.constant 1 : i32
      %add3A_82 = arith.addi %mul3A_49, %add3A_81 : i32
      %mul3A_83 = arith.constant 128 : i32
      %mul3A_84 = arith.muli %add3A_82, %mul3A_83 : i32
      %add3A_85 = arith.addi %mul3A_2, %mul3A_84 : i32
      %run_scoped3A_86 = arith.constant 1 : i32
      "tpu.region"() ({
        %run_scoped3A_342 = tpu.sem_alloc : memref<!tpu.dma_semaphore, #tpu.memory_space<semaphore_mem>>
        %dma_start3A_343 = arith.constant 0 : i32
        %dma_start3A_344 = tpu.memref_slice %arg9[%run_scoped3A_86, %dma_start3A_343] : memref<4x128xi32, #tpu.memory_space<vmem>> -> memref<1x128xi32, #tpu.memory_space<vmem>>
        %dma_start3A_345 = tpu.memref_squeeze %dma_start3A_344 : memref<1x128xi32, #tpu.memory_space<vmem>> -> memref<128xi32, #tpu.memory_space<vmem>>
        %dma_start3A_346 = tpu.memref_slice %arg2[%add3A_85] : memref<16384xi32, #tpu.memory_space<hbm>> -> memref<128xi32, #tpu.memory_space<hbm>>
        %dma_start3A_347 = arith.constant 0 : i32
        %dma_start3A_348 = tpu.memref_slice %arg9[%run_scoped3A_86, %dma_start3A_347] : memref<4x128xi32, #tpu.memory_space<vmem>> -> memref<1x128xi32, #tpu.memory_space<vmem>>
        %dma_start3A_349 = tpu.memref_squeeze %dma_start3A_348 : memref<1x128xi32, #tpu.memory_space<vmem>> -> memref<128xi32, #tpu.memory_space<vmem>>
        %dma_start3A_350 = tpu.memref_slice %arg2[%add3A_85] : memref<16384xi32, #tpu.memory_space<hbm>> -> memref<128xi32, #tpu.memory_space<hbm>>
        tpu.enqueue_dma source(%dma_start3A_350 : memref<128xi32, #tpu.memory_space<hbm>>) target(%dma_start3A_349 : memref<128xi32, #tpu.memory_space<vmem>>) target_semaphore(%run_scoped3A_342 : memref<!tpu.dma_semaphore, #tpu.memory_space<semaphore_mem>>)
        %dma_wait3A_351 = arith.constant 0 : i32
        %dma_wait3A_352 = tpu.memref_slice %arg9[%run_scoped3A_86, %dma_wait3A_351] : memref<4x128xi32, #tpu.memory_space<vmem>> -> memref<1x128xi32, #tpu.memory_space<vmem>>
        %dma_wait3A_353 = tpu.memref_squeeze %dma_wait3A_352 : memref<1x128xi32, #tpu.memory_space<vmem>> -> memref<128xi32, #tpu.memory_space<vmem>>
        %dma_wait3A_354 = tpu.memref_slice %arg2[%add3A_85] : memref<16384xi32, #tpu.memory_space<hbm>> -> memref<128xi32, #tpu.memory_space<hbm>>
        %dma_wait3A_355 = arith.constant 0 : i32
        %dma_wait3A_356 = tpu.memref_slice %arg9[%run_scoped3A_86, %dma_wait3A_355] : memref<4x128xi32, #tpu.memory_space<vmem>> -> memref<1x128xi32, #tpu.memory_space<vmem>>
        %dma_wait3A_357 = tpu.memref_squeeze %dma_wait3A_356 : memref<1x128xi32, #tpu.memory_space<vmem>> -> memref<128xi32, #tpu.memory_space<vmem>>
        %dma_wait3A_358 = tpu.memref_slice %arg2[%add3A_85] : memref<16384xi32, #tpu.memory_space<hbm>> -> memref<128xi32, #tpu.memory_space<hbm>>
        tpu.wait_dma2 semaphore(%run_scoped3A_342 : memref<!tpu.dma_semaphore, #tpu.memory_space<semaphore_mem>>) src(%dma_wait3A_358 : memref<128xi32, #tpu.memory_space<hbm>>) dst(%dma_wait3A_357 : memref<128xi32, #tpu.memory_space<vmem>>)
        tpu.yield
      }) : () -> ()
      %mul3A_87 = arith.constant 128 : i32
      %mul3A_88 = arith.muli %add3A_82, %mul3A_87 : i32
      %add3A_89 = arith.addi %mul3A_2, %mul3A_88 : i32
      %run_scoped3A_90 = arith.constant 1 : i32
      "tpu.region"() ({
        %run_scoped3A_342 = tpu.sem_alloc : memref<!tpu.dma_semaphore, #tpu.memory_space<semaphore_mem>>
        %dma_start3A_343 = arith.constant 0 : i32
        %dma_start3A_344 = tpu.memref_slice %arg10[%run_scoped3A_90, %dma_start3A_343] : memref<4x128xi32, #tpu.memory_space<vmem>> -> memref<1x128xi32, #tpu.memory_space<vmem>>
        %dma_start3A_345 = tpu.memref_squeeze %dma_start3A_344 : memref<1x128xi32, #tpu.memory_space<vmem>> -> memref<128xi32, #tpu.memory_space<vmem>>
        %dma_start3A_346 = tpu.memref_slice %arg3[%add3A_89] : memref<16384xi32, #tpu.memory_space<hbm>> -> memref<128xi32, #tpu.memory_space<hbm>>
        %dma_start3A_347 = arith.constant 0 : i32
        %dma_start3A_348 = tpu.memref_slice %arg10[%run_scoped3A_90, %dma_start3A_347] : memref<4x128xi32, #tpu.memory_space<vmem>> -> memref<1x128xi32, #tpu.memory_space<vmem>>
        %dma_start3A_349 = tpu.memref_squeeze %dma_start3A_348 : memref<1x128xi32, #tpu.memory_space<vmem>> -> memref<128xi32, #tpu.memory_space<vmem>>
        %dma_start3A_350 = tpu.memref_slice %arg3[%add3A_89] : memref<16384xi32, #tpu.memory_space<hbm>> -> memref<128xi32, #tpu.memory_space<hbm>>
        tpu.enqueue_dma source(%dma_start3A_350 : memref<128xi32, #tpu.memory_space<hbm>>) target(%dma_start3A_349 : memref<128xi32, #tpu.memory_space<vmem>>) target_semaphore(%run_scoped3A_342 : memref<!tpu.dma_semaphore, #tpu.memory_space<semaphore_mem>>)
        %dma_wait3A_351 = arith.constant 0 : i32
        %dma_wait3A_352 = tpu.memref_slice %arg10[%run_scoped3A_90, %dma_wait3A_351] : memref<4x128xi32, #tpu.memory_space<vmem>> -> memref<1x128xi32, #tpu.memory_space<vmem>>
        %dma_wait3A_353 = tpu.memref_squeeze %dma_wait3A_352 : memref<1x128xi32, #tpu.memory_space<vmem>> -> memref<128xi32, #tpu.memory_space<vmem>>
        %dma_wait3A_354 = tpu.memref_slice %arg3[%add3A_89] : memref<16384xi32, #tpu.memory_space<hbm>> -> memref<128xi32, #tpu.memory_space<hbm>>
        %dma_wait3A_355 = arith.constant 0 : i32
        %dma_wait3A_356 = tpu.memref_slice %arg10[%run_scoped3A_90, %dma_wait3A_355] : memref<4x128xi32, #tpu.memory_space<vmem>> -> memref<1x128xi32, #tpu.memory_space<vmem>>
        %dma_wait3A_357 = tpu.memref_squeeze %dma_wait3A_356 : memref<1x128xi32, #tpu.memory_space<vmem>> -> memref<128xi32, #tpu.memory_space<vmem>>
        %dma_wait3A_358 = tpu.memref_slice %arg3[%add3A_89] : memref<16384xi32, #tpu.memory_space<hbm>> -> memref<128xi32, #tpu.memory_space<hbm>>
        tpu.wait_dma2 semaphore(%run_scoped3A_342 : memref<!tpu.dma_semaphore, #tpu.memory_space<semaphore_mem>>) src(%dma_wait3A_358 : memref<128xi32, #tpu.memory_space<hbm>>) dst(%dma_wait3A_357 : memref<128xi32, #tpu.memory_space<vmem>>)
        tpu.yield
      }) : () -> ()
      %mul3A_91 = arith.constant 128 : i32
      %mul3A_92 = arith.muli %add3A_82, %mul3A_91 : i32
      %add3A_93 = arith.addi %mul3A_2, %mul3A_92 : i32
      %run_scoped3A_94 = arith.constant 1 : i32
      "tpu.region"() ({
        %run_scoped3A_342 = tpu.sem_alloc : memref<!tpu.dma_semaphore, #tpu.memory_space<semaphore_mem>>
        %dma_start3A_343 = arith.constant 0 : i32
        %dma_start3A_344 = tpu.memref_slice %arg11[%run_scoped3A_94, %dma_start3A_343] : memref<4x128xi32, #tpu.memory_space<vmem>> -> memref<1x128xi32, #tpu.memory_space<vmem>>
        %dma_start3A_345 = tpu.memref_squeeze %dma_start3A_344 : memref<1x128xi32, #tpu.memory_space<vmem>> -> memref<128xi32, #tpu.memory_space<vmem>>
        %dma_start3A_346 = tpu.memref_slice %arg4[%add3A_93] : memref<16384xi32, #tpu.memory_space<hbm>> -> memref<128xi32, #tpu.memory_space<hbm>>
        %dma_start3A_347 = arith.constant 0 : i32
        %dma_start3A_348 = tpu.memref_slice %arg11[%run_scoped3A_94, %dma_start3A_347] : memref<4x128xi32, #tpu.memory_space<vmem>> -> memref<1x128xi32, #tpu.memory_space<vmem>>
        %dma_start3A_349 = tpu.memref_squeeze %dma_start3A_348 : memref<1x128xi32, #tpu.memory_space<vmem>> -> memref<128xi32, #tpu.memory_space<vmem>>
        %dma_start3A_350 = tpu.memref_slice %arg4[%add3A_93] : memref<16384xi32, #tpu.memory_space<hbm>> -> memref<128xi32, #tpu.memory_space<hbm>>
        tpu.enqueue_dma source(%dma_start3A_350 : memref<128xi32, #tpu.memory_space<hbm>>) target(%dma_start3A_349 : memref<128xi32, #tpu.memory_space<vmem>>) target_semaphore(%run_scoped3A_342 : memref<!tpu.dma_semaphore, #tpu.memory_space<semaphore_mem>>)
        %dma_wait3A_351 = arith.constant 0 : i32
        %dma_wait3A_352 = tpu.memref_slice %arg11[%run_scoped3A_94, %dma_wait3A_351] : memref<4x128xi32, #tpu.memory_space<vmem>> -> memref<1x128xi32, #tpu.memory_space<vmem>>
        %dma_wait3A_353 = tpu.memref_squeeze %dma_wait3A_352 : memref<1x128xi32, #tpu.memory_space<vmem>> -> memref<128xi32, #tpu.memory_space<vmem>>
        %dma_wait3A_354 = tpu.memref_slice %arg4[%add3A_93] : memref<16384xi32, #tpu.memory_space<hbm>> -> memref<128xi32, #tpu.memory_space<hbm>>
        %dma_wait3A_355 = arith.constant 0 : i32
        %dma_wait3A_356 = tpu.memref_slice %arg11[%run_scoped3A_94, %dma_wait3A_355] : memref<4x128xi32, #tpu.memory_space<vmem>> -> memref<1x128xi32, #tpu.memory_space<vmem>>
        %dma_wait3A_357 = tpu.memref_squeeze %dma_wait3A_356 : memref<1x128xi32, #tpu.memory_space<vmem>> -> memref<128xi32, #tpu.memory_space<vmem>>
        %dma_wait3A_358 = tpu.memref_slice %arg4[%add3A_93] : memref<16384xi32, #tpu.memory_space<hbm>> -> memref<128xi32, #tpu.memory_space<hbm>>
        tpu.wait_dma2 semaphore(%run_scoped3A_342 : memref<!tpu.dma_semaphore, #tpu.memory_space<semaphore_mem>>) src(%dma_wait3A_358 : memref<128xi32, #tpu.memory_space<hbm>>) dst(%dma_wait3A_357 : memref<128xi32, #tpu.memory_space<vmem>>)
        tpu.yield
      }) : () -> ()
      %dma_start3A_95 = arith.constant 1 : i32
      %dma_start3A_96 = arith.constant 0 : i32
      %dma_start3A_97 = tpu.memref_slice %arg9[%dma_start3A_95, %dma_start3A_96] : memref<4x128xi32, #tpu.memory_space<vmem>> -> memref<1x128xi32, #tpu.memory_space<vmem>>
      %dma_start3A_98 = tpu.memref_squeeze %dma_start3A_97 : memref<1x128xi32, #tpu.memory_space<vmem>> -> memref<128xi32, #tpu.memory_space<vmem>>
      %dma_start3A_99 = arith.constant 0 : i32
      %dma_start3A_100 = arith.constant 0 : i32
      %dma_start3A_101 = tpu.memref_slice %arg5[%dma_start3A_99, %dma_start3A_100] : memref<100000x128xf32, #tpu.memory_space<hbm>> -> memref<100000x128xf32, #tpu.memory_space<hbm>>
      tpu.enqueue_indirect_dma source(%dma_start3A_101 : memref<100000x128xf32, #tpu.memory_space<hbm>>) target(%arg15 : memref<128x128xf32, #tpu.memory_space<vmem>>) offsets(%dma_start3A_98 : memref<128xi32, #tpu.memory_space<vmem>>) semaphore(%arg21 : memref<!tpu.dma_semaphore, #tpu.memory_space<semaphore_mem>>)
      %dma_start3A_102 = arith.constant 1 : i32
      %dma_start3A_103 = arith.constant 0 : i32
      %dma_start3A_104 = tpu.memref_slice %arg10[%dma_start3A_102, %dma_start3A_103] : memref<4x128xi32, #tpu.memory_space<vmem>> -> memref<1x128xi32, #tpu.memory_space<vmem>>
      %dma_start3A_105 = tpu.memref_squeeze %dma_start3A_104 : memref<1x128xi32, #tpu.memory_space<vmem>> -> memref<128xi32, #tpu.memory_space<vmem>>
      %dma_start3A_106 = arith.constant 0 : i32
      %dma_start3A_107 = arith.constant 0 : i32
      %dma_start3A_108 = tpu.memref_slice %arg6[%dma_start3A_106, %dma_start3A_107] : memref<100000x128xf32, #tpu.memory_space<hbm>> -> memref<100000x128xf32, #tpu.memory_space<hbm>>
      tpu.enqueue_indirect_dma source(%dma_start3A_108 : memref<100000x128xf32, #tpu.memory_space<hbm>>) target(%arg16 : memref<128x128xf32, #tpu.memory_space<vmem>>) offsets(%dma_start3A_105 : memref<128xi32, #tpu.memory_space<vmem>>) semaphore(%arg21 : memref<!tpu.dma_semaphore, #tpu.memory_space<semaphore_mem>>)
      %dma_start3A_109 = arith.constant 1 : i32
      %dma_start3A_110 = arith.constant 0 : i32
      %dma_start3A_111 = tpu.memref_slice %arg11[%dma_start3A_109, %dma_start3A_110] : memref<4x128xi32, #tpu.memory_space<vmem>> -> memref<1x128xi32, #tpu.memory_space<vmem>>
      %dma_start3A_112 = tpu.memref_squeeze %dma_start3A_111 : memref<1x128xi32, #tpu.memory_space<vmem>> -> memref<128xi32, #tpu.memory_space<vmem>>
      %dma_start3A_113 = arith.constant 0 : i32
      %dma_start3A_114 = arith.constant 0 : i32
      %dma_start3A_115 = tpu.memref_slice %arg6[%dma_start3A_113, %dma_start3A_114] : memref<100000x128xf32, #tpu.memory_space<hbm>> -> memref<100000x128xf32, #tpu.memory_space<hbm>>
      tpu.enqueue_indirect_dma source(%dma_start3A_115 : memref<100000x128xf32, #tpu.memory_space<hbm>>) target(%arg17 : memref<128x128xf32, #tpu.memory_space<vmem>>) offsets(%dma_start3A_112 : memref<128xi32, #tpu.memory_space<vmem>>) semaphore(%arg21 : memref<!tpu.dma_semaphore, #tpu.memory_space<semaphore_mem>>)
      %dma_wait3A = arith.constant 0 : i32
      %dma_wait3A_116 = arith.constant 0 : i32
      %dma_wait3A_117 = tpu.memref_slice %arg9[%dma_wait3A, %dma_wait3A_116] : memref<4x128xi32, #tpu.memory_space<vmem>> -> memref<1x128xi32, #tpu.memory_space<vmem>>
      %dma_wait3A_118 = tpu.memref_squeeze %dma_wait3A_117 : memref<1x128xi32, #tpu.memory_space<vmem>> -> memref<128xi32, #tpu.memory_space<vmem>>
      %dma_wait3A_119 = arith.constant 0 : i32
      %dma_wait3A_120 = arith.constant 0 : i32
      %dma_wait3A_121 = tpu.memref_slice %arg5[%dma_wait3A_119, %dma_wait3A_120] : memref<100000x128xf32, #tpu.memory_space<hbm>> -> memref<100000x128xf32, #tpu.memory_space<hbm>>
      tpu.wait_indirect_dma semaphore(%arg20 : memref<!tpu.dma_semaphore, #tpu.memory_space<semaphore_mem>>) src(%dma_wait3A_121 : memref<100000x128xf32, #tpu.memory_space<hbm>>) dst(%arg12 : memref<128x128xf32, #tpu.memory_space<vmem>>)
      %dma_wait3A_122 = arith.constant 0 : i32
      %dma_wait3A_123 = arith.constant 0 : i32
      %dma_wait3A_124 = tpu.memref_slice %arg10[%dma_wait3A_122, %dma_wait3A_123] : memref<4x128xi32, #tpu.memory_space<vmem>> -> memref<1x128xi32, #tpu.memory_space<vmem>>
      %dma_wait3A_125 = tpu.memref_squeeze %dma_wait3A_124 : memref<1x128xi32, #tpu.memory_space<vmem>> -> memref<128xi32, #tpu.memory_space<vmem>>
      %dma_wait3A_126 = arith.constant 0 : i32
      %dma_wait3A_127 = arith.constant 0 : i32
      %dma_wait3A_128 = tpu.memref_slice %arg6[%dma_wait3A_126, %dma_wait3A_127] : memref<100000x128xf32, #tpu.memory_space<hbm>> -> memref<100000x128xf32, #tpu.memory_space<hbm>>
      tpu.wait_indirect_dma semaphore(%arg20 : memref<!tpu.dma_semaphore, #tpu.memory_space<semaphore_mem>>) src(%dma_wait3A_128 : memref<100000x128xf32, #tpu.memory_space<hbm>>) dst(%arg13 : memref<128x128xf32, #tpu.memory_space<vmem>>)
      %dma_wait3A_129 = arith.constant 0 : i32
      %dma_wait3A_130 = arith.constant 0 : i32
      %dma_wait3A_131 = tpu.memref_slice %arg11[%dma_wait3A_129, %dma_wait3A_130] : memref<4x128xi32, #tpu.memory_space<vmem>> -> memref<1x128xi32, #tpu.memory_space<vmem>>
      %dma_wait3A_132 = tpu.memref_squeeze %dma_wait3A_131 : memref<1x128xi32, #tpu.memory_space<vmem>> -> memref<128xi32, #tpu.memory_space<vmem>>
      %dma_wait3A_133 = arith.constant 0 : i32
      %dma_wait3A_134 = arith.constant 0 : i32
      %dma_wait3A_135 = tpu.memref_slice %arg6[%dma_wait3A_133, %dma_wait3A_134] : memref<100000x128xf32, #tpu.memory_space<hbm>> -> memref<100000x128xf32, #tpu.memory_space<hbm>>
      tpu.wait_indirect_dma semaphore(%arg20 : memref<!tpu.dma_semaphore, #tpu.memory_space<semaphore_mem>>) src(%dma_wait3A_135 : memref<100000x128xf32, #tpu.memory_space<hbm>>) dst(%arg14 : memref<128x128xf32, #tpu.memory_space<vmem>>)
      %scan3A_136 = arith.constant 0 : i32
      %scan3A_137 = arith.constant 128 : i32
      %scan3A_138 = arith.addi %scan3A_136, %scan3A_137 : i32
      %scan3A_139 = arith.constant 1 : i32
      %scan3A_140:16 = scf.for %scan3A_342 = %scan3A_136 to %scan3A_138 step %scan3A_139 iter_args(%scan3A_343 = %broadcast_in_dim3A_27, %scan3A_344 = %broadcast_in_dim3A_29, %scan3A_345 = %broadcast_in_dim3A_31, %scan3A_346 = %broadcast_in_dim3A_33, %scan3A_347 = %broadcast_in_dim3A_35, %scan3A_348 = %broadcast_in_dim3A_37, %scan3A_349 = %broadcast_in_dim3A_39, %scan3A_350 = %broadcast_in_dim3A_41, %scan3A_351 = %broadcast_in_dim3A_27, %scan3A_352 = %broadcast_in_dim3A_29, %scan3A_353 = %broadcast_in_dim3A_31, %scan3A_354 = %broadcast_in_dim3A_33, %scan3A_355 = %broadcast_in_dim3A_35, %scan3A_356 = %broadcast_in_dim3A_37, %scan3A_357 = %broadcast_in_dim3A_39, %scan3A_358 = %broadcast_in_dim3A_41) -> (vector<16xf32>, vector<16xf32>, vector<16xf32>, vector<16xf32>, vector<16xf32>, vector<16xf32>, vector<16xf32>, vector<16xf32>, vector<16xf32>, vector<16xf32>, vector<16xf32>, vector<16xf32>, vector<16xf32>, vector<16xf32>, vector<16xf32>, vector<16xf32>)  : i32 {
        %add3A_359 = vector.broadcast %scan3A_342 : i32 to vector<16xi32>
        %add3A_360 = arith.addi %iota3A, %add3A_359 : vector<16xi32>
        %and3A = arith.constant 127 : i32
        %and3A_361 = vector.broadcast %and3A : i32 to vector<16xi32>
        %and3A_362 = arith.andi %add3A_360, %and3A_361 : vector<16xi32>
        %gather3A = tpu.vector_load_idx %arg12[%add3A_4, %and3A_362] : memref<128x128xf32, #tpu.memory_space<vmem>>[vector<16xi32>, vector<16xi32>], vector<16xf32>,
        %gather3A_363 = tpu.vector_load_idx %arg13[%add3A_4, %and3A_362] : memref<128x128xf32, #tpu.memory_space<vmem>>[vector<16xi32>, vector<16xi32>], vector<16xf32>,
        %gather3A_364 = tpu.vector_load_idx %arg14[%add3A_4, %and3A_362] : memref<128x128xf32, #tpu.memory_space<vmem>>[vector<16xi32>, vector<16xi32>], vector<16xf32>,
        %mul3A_365 = arith.mulf %gather3A, %gather3A_363 : vector<16xf32>
        %add3A_366 = arith.addf %scan3A_343, %mul3A_365 : vector<16xf32>
        %mul3A_367 = arith.mulf %gather3A, %gather3A_364 : vector<16xf32>
        %add3A_368 = arith.addf %scan3A_351, %mul3A_367 : vector<16xf32>
        %gather3A_369 = tpu.vector_load_idx %arg12[%add3A_7, %and3A_362] : memref<128x128xf32, #tpu.memory_space<vmem>>[vector<16xi32>, vector<16xi32>], vector<16xf32>,
        %gather3A_370 = tpu.vector_load_idx %arg13[%add3A_7, %and3A_362] : memref<128x128xf32, #tpu.memory_space<vmem>>[vector<16xi32>, vector<16xi32>], vector<16xf32>,
        %gather3A_371 = tpu.vector_load_idx %arg14[%add3A_7, %and3A_362] : memref<128x128xf32, #tpu.memory_space<vmem>>[vector<16xi32>, vector<16xi32>], vector<16xf32>,
        %mul3A_372 = arith.mulf %gather3A_369, %gather3A_370 : vector<16xf32>
        %add3A_373 = arith.addf %scan3A_344, %mul3A_372 : vector<16xf32>
        %mul3A_374 = arith.mulf %gather3A_369, %gather3A_371 : vector<16xf32>
        %add3A_375 = arith.addf %scan3A_352, %mul3A_374 : vector<16xf32>
        %gather3A_376 = tpu.vector_load_idx %arg12[%add3A_10, %and3A_362] : memref<128x128xf32, #tpu.memory_space<vmem>>[vector<16xi32>, vector<16xi32>], vector<16xf32>,
        %gather3A_377 = tpu.vector_load_idx %arg13[%add3A_10, %and3A_362] : memref<128x128xf32, #tpu.memory_space<vmem>>[vector<16xi32>, vector<16xi32>], vector<16xf32>,
        %gather3A_378 = tpu.vector_load_idx %arg14[%add3A_10, %and3A_362] : memref<128x128xf32, #tpu.memory_space<vmem>>[vector<16xi32>, vector<16xi32>], vector<16xf32>,
        %mul3A_379 = arith.mulf %gather3A_376, %gather3A_377 : vector<16xf32>
        %add3A_380 = arith.addf %scan3A_345, %mul3A_379 : vector<16xf32>
        %mul3A_381 = arith.mulf %gather3A_376, %gather3A_378 : vector<16xf32>
        %add3A_382 = arith.addf %scan3A_353, %mul3A_381 : vector<16xf32>
        %gather3A_383 = tpu.vector_load_idx %arg12[%add3A_13, %and3A_362] : memref<128x128xf32, #tpu.memory_space<vmem>>[vector<16xi32>, vector<16xi32>], vector<16xf32>,
        %gather3A_384 = tpu.vector_load_idx %arg13[%add3A_13, %and3A_362] : memref<128x128xf32, #tpu.memory_space<vmem>>[vector<16xi32>, vector<16xi32>], vector<16xf32>,
        %gather3A_385 = tpu.vector_load_idx %arg14[%add3A_13, %and3A_362] : memref<128x128xf32, #tpu.memory_space<vmem>>[vector<16xi32>, vector<16xi32>], vector<16xf32>,
        %mul3A_386 = arith.mulf %gather3A_383, %gather3A_384 : vector<16xf32>
        %add3A_387 = arith.addf %scan3A_346, %mul3A_386 : vector<16xf32>
        %mul3A_388 = arith.mulf %gather3A_383, %gather3A_385 : vector<16xf32>
        %add3A_389 = arith.addf %scan3A_354, %mul3A_388 : vector<16xf32>
        %gather3A_390 = tpu.vector_load_idx %arg12[%add3A_16, %and3A_362] : memref<128x128xf32, #tpu.memory_space<vmem>>[vector<16xi32>, vector<16xi32>], vector<16xf32>,
        %gather3A_391 = tpu.vector_load_idx %arg13[%add3A_16, %and3A_362] : memref<128x128xf32, #tpu.memory_space<vmem>>[vector<16xi32>, vector<16xi32>], vector<16xf32>,
        %gather3A_392 = tpu.vector_load_idx %arg14[%add3A_16, %and3A_362] : memref<128x128xf32, #tpu.memory_space<vmem>>[vector<16xi32>, vector<16xi32>], vector<16xf32>,
        %mul3A_393 = arith.mulf %gather3A_390, %gather3A_391 : vector<16xf32>
        %add3A_394 = arith.addf %scan3A_347, %mul3A_393 : vector<16xf32>
        %mul3A_395 = arith.mulf %gather3A_390, %gather3A_392 : vector<16xf32>
        %add3A_396 = arith.addf %scan3A_355, %mul3A_395 : vector<16xf32>
        %gather3A_397 = tpu.vector_load_idx %arg12[%add3A_19, %and3A_362] : memref<128x128xf32, #tpu.memory_space<vmem>>[vector<16xi32>, vector<16xi32>], vector<16xf32>,
        %gather3A_398 = tpu.vector_load_idx %arg13[%add3A_19, %and3A_362] : memref<128x128xf32, #tpu.memory_space<vmem>>[vector<16xi32>, vector<16xi32>], vector<16xf32>,
        %gather3A_399 = tpu.vector_load_idx %arg14[%add3A_19, %and3A_362] : memref<128x128xf32, #tpu.memory_space<vmem>>[vector<16xi32>, vector<16xi32>], vector<16xf32>,
        %mul3A_400 = arith.mulf %gather3A_397, %gather3A_398 : vector<16xf32>
        %add3A_401 = arith.addf %scan3A_348, %mul3A_400 : vector<16xf32>
        %mul3A_402 = arith.mulf %gather3A_397, %gather3A_399 : vector<16xf32>
        %add3A_403 = arith.addf %scan3A_356, %mul3A_402 : vector<16xf32>
        %gather3A_404 = tpu.vector_load_idx %arg12[%add3A_22, %and3A_362] : memref<128x128xf32, #tpu.memory_space<vmem>>[vector<16xi32>, vector<16xi32>], vector<16xf32>,
        %gather3A_405 = tpu.vector_load_idx %arg13[%add3A_22, %and3A_362] : memref<128x128xf32, #tpu.memory_space<vmem>>[vector<16xi32>, vector<16xi32>], vector<16xf32>,
        %gather3A_406 = tpu.vector_load_idx %arg14[%add3A_22, %and3A_362] : memref<128x128xf32, #tpu.memory_space<vmem>>[vector<16xi32>, vector<16xi32>], vector<16xf32>,
        %mul3A_407 = arith.mulf %gather3A_404, %gather3A_405 : vector<16xf32>
        %add3A_408 = arith.addf %scan3A_349, %mul3A_407 : vector<16xf32>
        %mul3A_409 = arith.mulf %gather3A_404, %gather3A_406 : vector<16xf32>
        %add3A_410 = arith.addf %scan3A_357, %mul3A_409 : vector<16xf32>
        %gather3A_411 = tpu.vector_load_idx %arg12[%add3A_25, %and3A_362] : memref<128x128xf32, #tpu.memory_space<vmem>>[vector<16xi32>, vector<16xi32>], vector<16xf32>,
        %gather3A_412 = tpu.vector_load_idx %arg13[%add3A_25, %and3A_362] : memref<128x128xf32, #tpu.memory_space<vmem>>[vector<16xi32>, vector<16xi32>], vector<16xf32>,
        %gather3A_413 = tpu.vector_load_idx %arg14[%add3A_25, %and3A_362] : memref<128x128xf32, #tpu.memory_space<vmem>>[vector<16xi32>, vector<16xi32>], vector<16xf32>,
        %mul3A_414 = arith.mulf %gather3A_411, %gather3A_412 : vector<16xf32>
        %add3A_415 = arith.addf %scan3A_350, %mul3A_414 : vector<16xf32>
        %mul3A_416 = arith.mulf %gather3A_411, %gather3A_413 : vector<16xf32>
        %add3A_417 = arith.addf %scan3A_358, %mul3A_416 : vector<16xf32>
        scf.yield %add3A_366, %add3A_373, %add3A_380, %add3A_387, %add3A_394, %add3A_401, %add3A_408, %add3A_415, %add3A_368, %add3A_375, %add3A_382, %add3A_389, %add3A_396, %add3A_403, %add3A_410, %add3A_417 : vector<16xf32>, vector<16xf32>, vector<16xf32>, vector<16xf32>, vector<16xf32>, vector<16xf32>, vector<16xf32>, vector<16xf32>, vector<16xf32>, vector<16xf32>, vector<16xf32>, vector<16xf32>, vector<16xf32>, vector<16xf32>, vector<16xf32>, vector<16xf32>
      }
      %scan3A_141 = arith.constant 128 : i32
      %swap3A = arith.index_cast %mul3A_49 : i32 to index
      %swap3A_142 = arith.constant 0 : index
      %swap3A_143 = tpu.vector_load %arg18[%swap3A, %swap3A_142] {strides = array<i32>} : memref<4x128xf32, #tpu.memory_space<vmem>>, vector<16xf32>,
      tpu.vector_store %arg18[%swap3A, %swap3A_142], %scan3A_140#0 {strides = array<i32>} : memref<4x128xf32, #tpu.memory_space<vmem>>, vector<16xf32>,
      %swap3A_144 = arith.index_cast %mul3A_49 : i32 to index
      %swap3A_145 = arith.constant 0 : index
      %swap3A_146 = tpu.vector_load %arg19[%swap3A_144, %swap3A_145] {strides = array<i32>} : memref<4x128xf32, #tpu.memory_space<vmem>>, vector<16xf32>,
      tpu.vector_store %arg19[%swap3A_144, %swap3A_145], %scan3A_140#8 {strides = array<i32>} : memref<4x128xf32, #tpu.memory_space<vmem>>, vector<16xf32>,
      %swap3A_147 = arith.index_cast %mul3A_49 : i32 to index
      %swap3A_148 = arith.constant 16 : index
      %swap3A_149 = tpu.vector_load %arg18[%swap3A_147, %swap3A_148] {strides = array<i32>} : memref<4x128xf32, #tpu.memory_space<vmem>>, vector<16xf32>,
      tpu.vector_store %arg18[%swap3A_147, %swap3A_148], %scan3A_140#1 {strides = array<i32>} : memref<4x128xf32, #tpu.memory_space<vmem>>, vector<16xf32>,
      %swap3A_150 = arith.index_cast %mul3A_49 : i32 to index
      %swap3A_151 = arith.constant 16 : index
      %swap3A_152 = tpu.vector_load %arg19[%swap3A_150, %swap3A_151] {strides = array<i32>} : memref<4x128xf32, #tpu.memory_space<vmem>>, vector<16xf32>,
      tpu.vector_store %arg19[%swap3A_150, %swap3A_151], %scan3A_140#9 {strides = array<i32>} : memref<4x128xf32, #tpu.memory_space<vmem>>, vector<16xf32>,
      %swap3A_153 = arith.index_cast %mul3A_49 : i32 to index
      %swap3A_154 = arith.constant 32 : index
      %swap3A_155 = tpu.vector_load %arg18[%swap3A_153, %swap3A_154] {strides = array<i32>} : memref<4x128xf32, #tpu.memory_space<vmem>>, vector<16xf32>,
      tpu.vector_store %arg18[%swap3A_153, %swap3A_154], %scan3A_140#2 {strides = array<i32>} : memref<4x128xf32, #tpu.memory_space<vmem>>, vector<16xf32>,
      %swap3A_156 = arith.index_cast %mul3A_49 : i32 to index
      %swap3A_157 = arith.constant 32 : index
      %swap3A_158 = tpu.vector_load %arg19[%swap3A_156, %swap3A_157] {strides = array<i32>} : memref<4x128xf32, #tpu.memory_space<vmem>>, vector<16xf32>,
      tpu.vector_store %arg19[%swap3A_156, %swap3A_157], %scan3A_140#10 {strides = array<i32>} : memref<4x128xf32, #tpu.memory_space<vmem>>, vector<16xf32>,
      %swap3A_159 = arith.index_cast %mul3A_49 : i32 to index
      %swap3A_160 = arith.constant 48 : index
      %swap3A_161 = tpu.vector_load %arg18[%swap3A_159, %swap3A_160] {strides = array<i32>} : memref<4x128xf32, #tpu.memory_space<vmem>>, vector<16xf32>,
      tpu.vector_store %arg18[%swap3A_159, %swap3A_160], %scan3A_140#3 {strides = array<i32>} : memref<4x128xf32, #tpu.memory_space<vmem>>, vector<16xf32>,
      %swap3A_162 = arith.index_cast %mul3A_49 : i32 to index
      %swap3A_163 = arith.constant 48 : index
      %swap3A_164 = tpu.vector_load %arg19[%swap3A_162, %swap3A_163] {strides = array<i32>} : memref<4x128xf32, #tpu.memory_space<vmem>>, vector<16xf32>,
      tpu.vector_store %arg19[%swap3A_162, %swap3A_163], %scan3A_140#11 {strides = array<i32>} : memref<4x128xf32, #tpu.memory_space<vmem>>, vector<16xf32>,
      %swap3A_165 = arith.index_cast %mul3A_49 : i32 to index
      %swap3A_166 = arith.constant 64 : index
      %swap3A_167 = tpu.vector_load %arg18[%swap3A_165, %swap3A_166] {strides = array<i32>} : memref<4x128xf32, #tpu.memory_space<vmem>>, vector<16xf32>,
      tpu.vector_store %arg18[%swap3A_165, %swap3A_166], %scan3A_140#4 {strides = array<i32>} : memref<4x128xf32, #tpu.memory_space<vmem>>, vector<16xf32>,
      %swap3A_168 = arith.index_cast %mul3A_49 : i32 to index
      %swap3A_169 = arith.constant 64 : index
      %swap3A_170 = tpu.vector_load %arg19[%swap3A_168, %swap3A_169] {strides = array<i32>} : memref<4x128xf32, #tpu.memory_space<vmem>>, vector<16xf32>,
      tpu.vector_store %arg19[%swap3A_168, %swap3A_169], %scan3A_140#12 {strides = array<i32>} : memref<4x128xf32, #tpu.memory_space<vmem>>, vector<16xf32>,
      %swap3A_171 = arith.index_cast %mul3A_49 : i32 to index
      %swap3A_172 = arith.constant 80 : index
      %swap3A_173 = tpu.vector_load %arg18[%swap3A_171, %swap3A_172] {strides = array<i32>} : memref<4x128xf32, #tpu.memory_space<vmem>>, vector<16xf32>,
      tpu.vector_store %arg18[%swap3A_171, %swap3A_172], %scan3A_140#5 {strides = array<i32>} : memref<4x128xf32, #tpu.memory_space<vmem>>, vector<16xf32>,
      %swap3A_174 = arith.index_cast %mul3A_49 : i32 to index
      %swap3A_175 = arith.constant 80 : index
      %swap3A_176 = tpu.vector_load %arg19[%swap3A_174, %swap3A_175] {strides = array<i32>} : memref<4x128xf32, #tpu.memory_space<vmem>>, vector<16xf32>,
      tpu.vector_store %arg19[%swap3A_174, %swap3A_175], %scan3A_140#13 {strides = array<i32>} : memref<4x128xf32, #tpu.memory_space<vmem>>, vector<16xf32>,
      %swap3A_177 = arith.index_cast %mul3A_49 : i32 to index
      %swap3A_178 = arith.constant 96 : index
      %swap3A_179 = tpu.vector_load %arg18[%swap3A_177, %swap3A_178] {strides = array<i32>} : memref<4x128xf32, #tpu.memory_space<vmem>>, vector<16xf32>,
      tpu.vector_store %arg18[%swap3A_177, %swap3A_178], %scan3A_140#6 {strides = array<i32>} : memref<4x128xf32, #tpu.memory_space<vmem>>, vector<16xf32>,
      %swap3A_180 = arith.index_cast %mul3A_49 : i32 to index
      %swap3A_181 = arith.constant 96 : index
      %swap3A_182 = tpu.vector_load %arg19[%swap3A_180, %swap3A_181] {strides = array<i32>} : memref<4x128xf32, #tpu.memory_space<vmem>>, vector<16xf32>,
      tpu.vector_store %arg19[%swap3A_180, %swap3A_181], %scan3A_140#14 {strides = array<i32>} : memref<4x128xf32, #tpu.memory_space<vmem>>, vector<16xf32>,
      %swap3A_183 = arith.index_cast %mul3A_49 : i32 to index
      %swap3A_184 = arith.constant 112 : index
      %swap3A_185 = tpu.vector_load %arg18[%swap3A_183, %swap3A_184] {strides = array<i32>} : memref<4x128xf32, #tpu.memory_space<vmem>>, vector<16xf32>,
      tpu.vector_store %arg18[%swap3A_183, %swap3A_184], %scan3A_140#7 {strides = array<i32>} : memref<4x128xf32, #tpu.memory_space<vmem>>, vector<16xf32>,
      %swap3A_186 = arith.index_cast %mul3A_49 : i32 to index
      %swap3A_187 = arith.constant 112 : index
      %swap3A_188 = tpu.vector_load %arg19[%swap3A_186, %swap3A_187] {strides = array<i32>} : memref<4x128xf32, #tpu.memory_space<vmem>>, vector<16xf32>,
      tpu.vector_store %arg19[%swap3A_186, %swap3A_187], %scan3A_140#15 {strides = array<i32>} : memref<4x128xf32, #tpu.memory_space<vmem>>, vector<16xf32>,
      %mul3A_189 = arith.constant 128 : i32
      %mul3A_190 = arith.muli %mul3A_49, %mul3A_189 : i32
      %add3A_191 = arith.addi %mul3A_2, %mul3A_190 : i32
      %dma_start3A_192 = arith.constant 0 : i32
      %dma_start3A_193 = tpu.memref_slice %arg18[%mul3A_49, %dma_start3A_192] : memref<4x128xf32, #tpu.memory_space<vmem>> -> memref<1x128xf32, #tpu.memory_space<vmem>>
      %dma_start3A_194 = tpu.memref_squeeze %dma_start3A_193 : memref<1x128xf32, #tpu.memory_space<vmem>> -> memref<128xf32, #tpu.memory_space<vmem>>
      %dma_start3A_195 = tpu.memref_slice %arg7[%add3A_191] : memref<16384xf32, #tpu.memory_space<hbm>> -> memref<128xf32, #tpu.memory_space<hbm>>
      %dma_start3A_196 = tpu.memref_slice %arg7[%add3A_191] : memref<16384xf32, #tpu.memory_space<hbm>> -> memref<128xf32, #tpu.memory_space<hbm>>
      %dma_start3A_197 = arith.constant 0 : i32
      %dma_start3A_198 = tpu.memref_slice %arg18[%mul3A_49, %dma_start3A_197] : memref<4x128xf32, #tpu.memory_space<vmem>> -> memref<1x128xf32, #tpu.memory_space<vmem>>
      %dma_start3A_199 = tpu.memref_squeeze %dma_start3A_198 : memref<1x128xf32, #tpu.memory_space<vmem>> -> memref<128xf32, #tpu.memory_space<vmem>>
      tpu.enqueue_dma source(%dma_start3A_199 : memref<128xf32, #tpu.memory_space<vmem>>) target(%dma_start3A_196 : memref<128xf32, #tpu.memory_space<hbm>>) target_semaphore(%arg22 : memref<!tpu.dma_semaphore, #tpu.memory_space<semaphore_mem>>)
      %mul3A_200 = arith.constant 128 : i32
      %mul3A_201 = arith.muli %mul3A_49, %mul3A_200 : i32
      %add3A_202 = arith.addi %mul3A_2, %mul3A_201 : i32
      %dma_start3A_203 = arith.constant 0 : i32
      %dma_start3A_204 = tpu.memref_slice %arg19[%mul3A_49, %dma_start3A_203] : memref<4x128xf32, #tpu.memory_space<vmem>> -> memref<1x128xf32, #tpu.memory_space<vmem>>
      %dma_start3A_205 = tpu.memref_squeeze %dma_start3A_204 : memref<1x128xf32, #tpu.memory_space<vmem>> -> memref<128xf32, #tpu.memory_space<vmem>>
      %dma_start3A_206 = tpu.memref_slice %arg8[%add3A_202] : memref<16384xf32, #tpu.memory_space<hbm>> -> memref<128xf32, #tpu.memory_space<hbm>>
      %dma_start3A_207 = tpu.memref_slice %arg8[%add3A_202] : memref<16384xf32, #tpu.memory_space<hbm>> -> memref<128xf32, #tpu.memory_space<hbm>>
      %dma_start3A_208 = arith.constant 0 : i32
      %dma_start3A_209 = tpu.memref_slice %arg19[%mul3A_49, %dma_start3A_208] : memref<4x128xf32, #tpu.memory_space<vmem>> -> memref<1x128xf32, #tpu.memory_space<vmem>>
      %dma_start3A_210 = tpu.memref_squeeze %dma_start3A_209 : memref<1x128xf32, #tpu.memory_space<vmem>> -> memref<128xf32, #tpu.memory_space<vmem>>
      tpu.enqueue_dma source(%dma_start3A_210 : memref<128xf32, #tpu.memory_space<vmem>>) target(%dma_start3A_207 : memref<128xf32, #tpu.memory_space<hbm>>) target_semaphore(%arg22 : memref<!tpu.dma_semaphore, #tpu.memory_space<semaphore_mem>>)
      %dma_wait3A_211 = arith.constant 1 : i32
      %dma_wait3A_212 = arith.constant 0 : i32
      %dma_wait3A_213 = tpu.memref_slice %arg9[%dma_wait3A_211, %dma_wait3A_212] : memref<4x128xi32, #tpu.memory_space<vmem>> -> memref<1x128xi32, #tpu.memory_space<vmem>>
      %dma_wait3A_214 = tpu.memref_squeeze %dma_wait3A_213 : memref<1x128xi32, #tpu.memory_space<vmem>> -> memref<128xi32, #tpu.memory_space<vmem>>
      %dma_wait3A_215 = arith.constant 0 : i32
      %dma_wait3A_216 = arith.constant 0 : i32
      %dma_wait3A_217 = tpu.memref_slice %arg5[%dma_wait3A_215, %dma_wait3A_216] : memref<100000x128xf32, #tpu.memory_space<hbm>> -> memref<100000x128xf32, #tpu.memory_space<hbm>>
      tpu.wait_indirect_dma semaphore(%arg21 : memref<!tpu.dma_semaphore, #tpu.memory_space<semaphore_mem>>) src(%dma_wait3A_217 : memref<100000x128xf32, #tpu.memory_space<hbm>>) dst(%arg15 : memref<128x128xf32, #tpu.memory_space<vmem>>)
      %dma_wait3A_218 = arith.constant 1 : i32
      %dma_wait3A_219 = arith.constant 0 : i32
      %dma_wait3A_220 = tpu.memref_slice %arg10[%dma_wait3A_218, %dma_wait3A_219] : memref<4x128xi32, #tpu.memory_space<vmem>> -> memref<1x128xi32, #tpu.memory_space<vmem>>
      %dma_wait3A_221 = tpu.memref_squeeze %dma_wait3A_220 : memref<1x128xi32, #tpu.memory_space<vmem>> -> memref<128xi32, #tpu.memory_space<vmem>>
      %dma_wait3A_222 = arith.constant 0 : i32
      %dma_wait3A_223 = arith.constant 0 : i32
      %dma_wait3A_224 = tpu.memref_slice %arg6[%dma_wait3A_222, %dma_wait3A_223] : memref<100000x128xf32, #tpu.memory_space<hbm>> -> memref<100000x128xf32, #tpu.memory_space<hbm>>
      tpu.wait_indirect_dma semaphore(%arg21 : memref<!tpu.dma_semaphore, #tpu.memory_space<semaphore_mem>>) src(%dma_wait3A_224 : memref<100000x128xf32, #tpu.memory_space<hbm>>) dst(%arg16 : memref<128x128xf32, #tpu.memory_space<vmem>>)
      %dma_wait3A_225 = arith.constant 1 : i32
      %dma_wait3A_226 = arith.constant 0 : i32
      %dma_wait3A_227 = tpu.memref_slice %arg11[%dma_wait3A_225, %dma_wait3A_226] : memref<4x128xi32, #tpu.memory_space<vmem>> -> memref<1x128xi32, #tpu.memory_space<vmem>>
      %dma_wait3A_228 = tpu.memref_squeeze %dma_wait3A_227 : memref<1x128xi32, #tpu.memory_space<vmem>> -> memref<128xi32, #tpu.memory_space<vmem>>
      %dma_wait3A_229 = arith.constant 0 : i32
      %dma_wait3A_230 = arith.constant 0 : i32
      %dma_wait3A_231 = tpu.memref_slice %arg6[%dma_wait3A_229, %dma_wait3A_230] : memref<100000x128xf32, #tpu.memory_space<hbm>> -> memref<100000x128xf32, #tpu.memory_space<hbm>>
      tpu.wait_indirect_dma semaphore(%arg21 : memref<!tpu.dma_semaphore, #tpu.memory_space<semaphore_mem>>) src(%dma_wait3A_231 : memref<100000x128xf32, #tpu.memory_space<hbm>>) dst(%arg17 : memref<128x128xf32, #tpu.memory_space<vmem>>)
      %add3A_232 = arith.constant 1 : i32
      %add3A_233 = arith.addi %mul3A_49, %add3A_232 : i32
      %scan3A_234 = arith.constant 0 : i32
      %scan3A_235 = arith.constant 128 : i32
      %scan3A_236 = arith.addi %scan3A_234, %scan3A_235 : i32
      %scan3A_237 = arith.constant 1 : i32
      %scan3A_238:16 = scf.for %scan3A_342 = %scan3A_234 to %scan3A_236 step %scan3A_237 iter_args(%scan3A_343 = %broadcast_in_dim3A_27, %scan3A_344 = %broadcast_in_dim3A_29, %scan3A_345 = %broadcast_in_dim3A_31, %scan3A_346 = %broadcast_in_dim3A_33, %scan3A_347 = %broadcast_in_dim3A_35, %scan3A_348 = %broadcast_in_dim3A_37, %scan3A_349 = %broadcast_in_dim3A_39, %scan3A_350 = %broadcast_in_dim3A_41, %scan3A_351 = %broadcast_in_dim3A_27, %scan3A_352 = %broadcast_in_dim3A_29, %scan3A_353 = %broadcast_in_dim3A_31, %scan3A_354 = %broadcast_in_dim3A_33, %scan3A_355 = %broadcast_in_dim3A_35, %scan3A_356 = %broadcast_in_dim3A_37, %scan3A_357 = %broadcast_in_dim3A_39, %scan3A_358 = %broadcast_in_dim3A_41) -> (vector<16xf32>, vector<16xf32>, vector<16xf32>, vector<16xf32>, vector<16xf32>, vector<16xf32>, vector<16xf32>, vector<16xf32>, vector<16xf32>, vector<16xf32>, vector<16xf32>, vector<16xf32>, vector<16xf32>, vector<16xf32>, vector<16xf32>, vector<16xf32>)  : i32 {
        %add3A_359 = vector.broadcast %scan3A_342 : i32 to vector<16xi32>
        %add3A_360 = arith.addi %iota3A, %add3A_359 : vector<16xi32>
        %and3A = arith.constant 127 : i32
        %and3A_361 = vector.broadcast %and3A : i32 to vector<16xi32>
        %and3A_362 = arith.andi %add3A_360, %and3A_361 : vector<16xi32>
        %gather3A = tpu.vector_load_idx %arg15[%add3A_4, %and3A_362] : memref<128x128xf32, #tpu.memory_space<vmem>>[vector<16xi32>, vector<16xi32>], vector<16xf32>,
        %gather3A_363 = tpu.vector_load_idx %arg16[%add3A_4, %and3A_362] : memref<128x128xf32, #tpu.memory_space<vmem>>[vector<16xi32>, vector<16xi32>], vector<16xf32>,
        %gather3A_364 = tpu.vector_load_idx %arg17[%add3A_4, %and3A_362] : memref<128x128xf32, #tpu.memory_space<vmem>>[vector<16xi32>, vector<16xi32>], vector<16xf32>,
        %mul3A_365 = arith.mulf %gather3A, %gather3A_363 : vector<16xf32>
        %add3A_366 = arith.addf %scan3A_343, %mul3A_365 : vector<16xf32>
        %mul3A_367 = arith.mulf %gather3A, %gather3A_364 : vector<16xf32>
        %add3A_368 = arith.addf %scan3A_351, %mul3A_367 : vector<16xf32>
        %gather3A_369 = tpu.vector_load_idx %arg15[%add3A_7, %and3A_362] : memref<128x128xf32, #tpu.memory_space<vmem>>[vector<16xi32>, vector<16xi32>], vector<16xf32>,
        %gather3A_370 = tpu.vector_load_idx %arg16[%add3A_7, %and3A_362] : memref<128x128xf32, #tpu.memory_space<vmem>>[vector<16xi32>, vector<16xi32>], vector<16xf32>,
        %gather3A_371 = tpu.vector_load_idx %arg17[%add3A_7, %and3A_362] : memref<128x128xf32, #tpu.memory_space<vmem>>[vector<16xi32>, vector<16xi32>], vector<16xf32>,
        %mul3A_372 = arith.mulf %gather3A_369, %gather3A_370 : vector<16xf32>
        %add3A_373 = arith.addf %scan3A_344, %mul3A_372 : vector<16xf32>
        %mul3A_374 = arith.mulf %gather3A_369, %gather3A_371 : vector<16xf32>
        %add3A_375 = arith.addf %scan3A_352, %mul3A_374 : vector<16xf32>
        %gather3A_376 = tpu.vector_load_idx %arg15[%add3A_10, %and3A_362] : memref<128x128xf32, #tpu.memory_space<vmem>>[vector<16xi32>, vector<16xi32>], vector<16xf32>,
        %gather3A_377 = tpu.vector_load_idx %arg16[%add3A_10, %and3A_362] : memref<128x128xf32, #tpu.memory_space<vmem>>[vector<16xi32>, vector<16xi32>], vector<16xf32>,
        %gather3A_378 = tpu.vector_load_idx %arg17[%add3A_10, %and3A_362] : memref<128x128xf32, #tpu.memory_space<vmem>>[vector<16xi32>, vector<16xi32>], vector<16xf32>,
        %mul3A_379 = arith.mulf %gather3A_376, %gather3A_377 : vector<16xf32>
        %add3A_380 = arith.addf %scan3A_345, %mul3A_379 : vector<16xf32>
        %mul3A_381 = arith.mulf %gather3A_376, %gather3A_378 : vector<16xf32>
        %add3A_382 = arith.addf %scan3A_353, %mul3A_381 : vector<16xf32>
        %gather3A_383 = tpu.vector_load_idx %arg15[%add3A_13, %and3A_362] : memref<128x128xf32, #tpu.memory_space<vmem>>[vector<16xi32>, vector<16xi32>], vector<16xf32>,
        %gather3A_384 = tpu.vector_load_idx %arg16[%add3A_13, %and3A_362] : memref<128x128xf32, #tpu.memory_space<vmem>>[vector<16xi32>, vector<16xi32>], vector<16xf32>,
        %gather3A_385 = tpu.vector_load_idx %arg17[%add3A_13, %and3A_362] : memref<128x128xf32, #tpu.memory_space<vmem>>[vector<16xi32>, vector<16xi32>], vector<16xf32>,
        %mul3A_386 = arith.mulf %gather3A_383, %gather3A_384 : vector<16xf32>
        %add3A_387 = arith.addf %scan3A_346, %mul3A_386 : vector<16xf32>
        %mul3A_388 = arith.mulf %gather3A_383, %gather3A_385 : vector<16xf32>
        %add3A_389 = arith.addf %scan3A_354, %mul3A_388 : vector<16xf32>
        %gather3A_390 = tpu.vector_load_idx %arg15[%add3A_16, %and3A_362] : memref<128x128xf32, #tpu.memory_space<vmem>>[vector<16xi32>, vector<16xi32>], vector<16xf32>,
        %gather3A_391 = tpu.vector_load_idx %arg16[%add3A_16, %and3A_362] : memref<128x128xf32, #tpu.memory_space<vmem>>[vector<16xi32>, vector<16xi32>], vector<16xf32>,
        %gather3A_392 = tpu.vector_load_idx %arg17[%add3A_16, %and3A_362] : memref<128x128xf32, #tpu.memory_space<vmem>>[vector<16xi32>, vector<16xi32>], vector<16xf32>,
        %mul3A_393 = arith.mulf %gather3A_390, %gather3A_391 : vector<16xf32>
        %add3A_394 = arith.addf %scan3A_347, %mul3A_393 : vector<16xf32>
        %mul3A_395 = arith.mulf %gather3A_390, %gather3A_392 : vector<16xf32>
        %add3A_396 = arith.addf %scan3A_355, %mul3A_395 : vector<16xf32>
        %gather3A_397 = tpu.vector_load_idx %arg15[%add3A_19, %and3A_362] : memref<128x128xf32, #tpu.memory_space<vmem>>[vector<16xi32>, vector<16xi32>], vector<16xf32>,
        %gather3A_398 = tpu.vector_load_idx %arg16[%add3A_19, %and3A_362] : memref<128x128xf32, #tpu.memory_space<vmem>>[vector<16xi32>, vector<16xi32>], vector<16xf32>,
        %gather3A_399 = tpu.vector_load_idx %arg17[%add3A_19, %and3A_362] : memref<128x128xf32, #tpu.memory_space<vmem>>[vector<16xi32>, vector<16xi32>], vector<16xf32>,
        %mul3A_400 = arith.mulf %gather3A_397, %gather3A_398 : vector<16xf32>
        %add3A_401 = arith.addf %scan3A_348, %mul3A_400 : vector<16xf32>
        %mul3A_402 = arith.mulf %gather3A_397, %gather3A_399 : vector<16xf32>
        %add3A_403 = arith.addf %scan3A_356, %mul3A_402 : vector<16xf32>
        %gather3A_404 = tpu.vector_load_idx %arg15[%add3A_22, %and3A_362] : memref<128x128xf32, #tpu.memory_space<vmem>>[vector<16xi32>, vector<16xi32>], vector<16xf32>,
        %gather3A_405 = tpu.vector_load_idx %arg16[%add3A_22, %and3A_362] : memref<128x128xf32, #tpu.memory_space<vmem>>[vector<16xi32>, vector<16xi32>], vector<16xf32>,
        %gather3A_406 = tpu.vector_load_idx %arg17[%add3A_22, %and3A_362] : memref<128x128xf32, #tpu.memory_space<vmem>>[vector<16xi32>, vector<16xi32>], vector<16xf32>,
        %mul3A_407 = arith.mulf %gather3A_404, %gather3A_405 : vector<16xf32>
        %add3A_408 = arith.addf %scan3A_349, %mul3A_407 : vector<16xf32>
        %mul3A_409 = arith.mulf %gather3A_404, %gather3A_406 : vector<16xf32>
        %add3A_410 = arith.addf %scan3A_357, %mul3A_409 : vector<16xf32>
        %gather3A_411 = tpu.vector_load_idx %arg15[%add3A_25, %and3A_362] : memref<128x128xf32, #tpu.memory_space<vmem>>[vector<16xi32>, vector<16xi32>], vector<16xf32>,
        %gather3A_412 = tpu.vector_load_idx %arg16[%add3A_25, %and3A_362] : memref<128x128xf32, #tpu.memory_space<vmem>>[vector<16xi32>, vector<16xi32>], vector<16xf32>,
        %gather3A_413 = tpu.vector_load_idx %arg17[%add3A_25, %and3A_362] : memref<128x128xf32, #tpu.memory_space<vmem>>[vector<16xi32>, vector<16xi32>], vector<16xf32>,
        %mul3A_414 = arith.mulf %gather3A_411, %gather3A_412 : vector<16xf32>
        %add3A_415 = arith.addf %scan3A_350, %mul3A_414 : vector<16xf32>
        %mul3A_416 = arith.mulf %gather3A_411, %gather3A_413 : vector<16xf32>
        %add3A_417 = arith.addf %scan3A_358, %mul3A_416 : vector<16xf32>
        scf.yield %add3A_366, %add3A_373, %add3A_380, %add3A_387, %add3A_394, %add3A_401, %add3A_408, %add3A_415, %add3A_368, %add3A_375, %add3A_382, %add3A_389, %add3A_396, %add3A_403, %add3A_410, %add3A_417 : vector<16xf32>, vector<16xf32>, vector<16xf32>, vector<16xf32>, vector<16xf32>, vector<16xf32>, vector<16xf32>, vector<16xf32>, vector<16xf32>, vector<16xf32>, vector<16xf32>, vector<16xf32>, vector<16xf32>, vector<16xf32>, vector<16xf32>, vector<16xf32>
      }
      %scan3A_239 = arith.constant 128 : i32
      %swap3A_240 = arith.index_cast %add3A_233 : i32 to index
      %swap3A_241 = arith.constant 0 : index
      %swap3A_242 = tpu.vector_load %arg18[%swap3A_240, %swap3A_241] {strides = array<i32>} : memref<4x128xf32, #tpu.memory_space<vmem>>, vector<16xf32>,
      tpu.vector_store %arg18[%swap3A_240, %swap3A_241], %scan3A_238#0 {strides = array<i32>} : memref<4x128xf32, #tpu.memory_space<vmem>>, vector<16xf32>,
      %swap3A_243 = arith.index_cast %add3A_233 : i32 to index
      %swap3A_244 = arith.constant 0 : index
      %swap3A_245 = tpu.vector_load %arg19[%swap3A_243, %swap3A_244] {strides = array<i32>} : memref<4x128xf32, #tpu.memory_space<vmem>>, vector<16xf32>,
      tpu.vector_store %arg19[%swap3A_243, %swap3A_244], %scan3A_238#8 {strides = array<i32>} : memref<4x128xf32, #tpu.memory_space<vmem>>, vector<16xf32>,
      %swap3A_246 = arith.index_cast %add3A_233 : i32 to index
      %swap3A_247 = arith.constant 16 : index
      %swap3A_248 = tpu.vector_load %arg18[%swap3A_246, %swap3A_247] {strides = array<i32>} : memref<4x128xf32, #tpu.memory_space<vmem>>, vector<16xf32>,
      tpu.vector_store %arg18[%swap3A_246, %swap3A_247], %scan3A_238#1 {strides = array<i32>} : memref<4x128xf32, #tpu.memory_space<vmem>>, vector<16xf32>,
      %swap3A_249 = arith.index_cast %add3A_233 : i32 to index
      %swap3A_250 = arith.constant 16 : index
      %swap3A_251 = tpu.vector_load %arg19[%swap3A_249, %swap3A_250] {strides = array<i32>} : memref<4x128xf32, #tpu.memory_space<vmem>>, vector<16xf32>,
      tpu.vector_store %arg19[%swap3A_249, %swap3A_250], %scan3A_238#9 {strides = array<i32>} : memref<4x128xf32, #tpu.memory_space<vmem>>, vector<16xf32>,
      %swap3A_252 = arith.index_cast %add3A_233 : i32 to index
      %swap3A_253 = arith.constant 32 : index
      %swap3A_254 = tpu.vector_load %arg18[%swap3A_252, %swap3A_253] {strides = array<i32>} : memref<4x128xf32, #tpu.memory_space<vmem>>, vector<16xf32>,
      tpu.vector_store %arg18[%swap3A_252, %swap3A_253], %scan3A_238#2 {strides = array<i32>} : memref<4x128xf32, #tpu.memory_space<vmem>>, vector<16xf32>,
      %swap3A_255 = arith.index_cast %add3A_233 : i32 to index
      %swap3A_256 = arith.constant 32 : index
      %swap3A_257 = tpu.vector_load %arg19[%swap3A_255, %swap3A_256] {strides = array<i32>} : memref<4x128xf32, #tpu.memory_space<vmem>>, vector<16xf32>,
      tpu.vector_store %arg19[%swap3A_255, %swap3A_256], %scan3A_238#10 {strides = array<i32>} : memref<4x128xf32, #tpu.memory_space<vmem>>, vector<16xf32>,
      %swap3A_258 = arith.index_cast %add3A_233 : i32 to index
      %swap3A_259 = arith.constant 48 : index
      %swap3A_260 = tpu.vector_load %arg18[%swap3A_258, %swap3A_259] {strides = array<i32>} : memref<4x128xf32, #tpu.memory_space<vmem>>, vector<16xf32>,
      tpu.vector_store %arg18[%swap3A_258, %swap3A_259], %scan3A_238#3 {strides = array<i32>} : memref<4x128xf32, #tpu.memory_space<vmem>>, vector<16xf32>,
      %swap3A_261 = arith.index_cast %add3A_233 : i32 to index
      %swap3A_262 = arith.constant 48 : index
      %swap3A_263 = tpu.vector_load %arg19[%swap3A_261, %swap3A_262] {strides = array<i32>} : memref<4x128xf32, #tpu.memory_space<vmem>>, vector<16xf32>,
      tpu.vector_store %arg19[%swap3A_261, %swap3A_262], %scan3A_238#11 {strides = array<i32>} : memref<4x128xf32, #tpu.memory_space<vmem>>, vector<16xf32>,
      %swap3A_264 = arith.index_cast %add3A_233 : i32 to index
      %swap3A_265 = arith.constant 64 : index
      %swap3A_266 = tpu.vector_load %arg18[%swap3A_264, %swap3A_265] {strides = array<i32>} : memref<4x128xf32, #tpu.memory_space<vmem>>, vector<16xf32>,
      tpu.vector_store %arg18[%swap3A_264, %swap3A_265], %scan3A_238#4 {strides = array<i32>} : memref<4x128xf32, #tpu.memory_space<vmem>>, vector<16xf32>,
      %swap3A_267 = arith.index_cast %add3A_233 : i32 to index
      %swap3A_268 = arith.constant 64 : index
      %swap3A_269 = tpu.vector_load %arg19[%swap3A_267, %swap3A_268] {strides = array<i32>} : memref<4x128xf32, #tpu.memory_space<vmem>>, vector<16xf32>,
      tpu.vector_store %arg19[%swap3A_267, %swap3A_268], %scan3A_238#12 {strides = array<i32>} : memref<4x128xf32, #tpu.memory_space<vmem>>, vector<16xf32>,
      %swap3A_270 = arith.index_cast %add3A_233 : i32 to index
      %swap3A_271 = arith.constant 80 : index
      %swap3A_272 = tpu.vector_load %arg18[%swap3A_270, %swap3A_271] {strides = array<i32>} : memref<4x128xf32, #tpu.memory_space<vmem>>, vector<16xf32>,
      tpu.vector_store %arg18[%swap3A_270, %swap3A_271], %scan3A_238#5 {strides = array<i32>} : memref<4x128xf32, #tpu.memory_space<vmem>>, vector<16xf32>,
      %swap3A_273 = arith.index_cast %add3A_233 : i32 to index
      %swap3A_274 = arith.constant 80 : index
      %swap3A_275 = tpu.vector_load %arg19[%swap3A_273, %swap3A_274] {strides = array<i32>} : memref<4x128xf32, #tpu.memory_space<vmem>>, vector<16xf32>,
      tpu.vector_store %arg19[%swap3A_273, %swap3A_274], %scan3A_238#13 {strides = array<i32>} : memref<4x128xf32, #tpu.memory_space<vmem>>, vector<16xf32>,
      %swap3A_276 = arith.index_cast %add3A_233 : i32 to index
      %swap3A_277 = arith.constant 96 : index
      %swap3A_278 = tpu.vector_load %arg18[%swap3A_276, %swap3A_277] {strides = array<i32>} : memref<4x128xf32, #tpu.memory_space<vmem>>, vector<16xf32>,
      tpu.vector_store %arg18[%swap3A_276, %swap3A_277], %scan3A_238#6 {strides = array<i32>} : memref<4x128xf32, #tpu.memory_space<vmem>>, vector<16xf32>,
      %swap3A_279 = arith.index_cast %add3A_233 : i32 to index
      %swap3A_280 = arith.constant 96 : index
      %swap3A_281 = tpu.vector_load %arg19[%swap3A_279, %swap3A_280] {strides = array<i32>} : memref<4x128xf32, #tpu.memory_space<vmem>>, vector<16xf32>,
      tpu.vector_store %arg19[%swap3A_279, %swap3A_280], %scan3A_238#14 {strides = array<i32>} : memref<4x128xf32, #tpu.memory_space<vmem>>, vector<16xf32>,
      %swap3A_282 = arith.index_cast %add3A_233 : i32 to index
      %swap3A_283 = arith.constant 112 : index
      %swap3A_284 = tpu.vector_load %arg18[%swap3A_282, %swap3A_283] {strides = array<i32>} : memref<4x128xf32, #tpu.memory_space<vmem>>, vector<16xf32>,
      tpu.vector_store %arg18[%swap3A_282, %swap3A_283], %scan3A_238#7 {strides = array<i32>} : memref<4x128xf32, #tpu.memory_space<vmem>>, vector<16xf32>,
      %swap3A_285 = arith.index_cast %add3A_233 : i32 to index
      %swap3A_286 = arith.constant 112 : index
      %swap3A_287 = tpu.vector_load %arg19[%swap3A_285, %swap3A_286] {strides = array<i32>} : memref<4x128xf32, #tpu.memory_space<vmem>>, vector<16xf32>,
      tpu.vector_store %arg19[%swap3A_285, %swap3A_286], %scan3A_238#15 {strides = array<i32>} : memref<4x128xf32, #tpu.memory_space<vmem>>, vector<16xf32>,
      %mul3A_288 = arith.constant 128 : i32
      %mul3A_289 = arith.muli %add3A_233, %mul3A_288 : i32
      %add3A_290 = arith.addi %mul3A_2, %mul3A_289 : i32
      %dma_start3A_291 = arith.constant 0 : i32
      %dma_start3A_292 = tpu.memref_slice %arg18[%add3A_233, %dma_start3A_291] : memref<4x128xf32, #tpu.memory_space<vmem>> -> memref<1x128xf32, #tpu.memory_space<vmem>>
      %dma_start3A_293 = tpu.memref_squeeze %dma_start3A_292 : memref<1x128xf32, #tpu.memory_space<vmem>> -> memref<128xf32, #tpu.memory_space<vmem>>
      %dma_start3A_294 = tpu.memref_slice %arg7[%add3A_290] : memref<16384xf32, #tpu.memory_space<hbm>> -> memref<128xf32, #tpu.memory_space<hbm>>
      %dma_start3A_295 = tpu.memref_slice %arg7[%add3A_290] : memref<16384xf32, #tpu.memory_space<hbm>> -> memref<128xf32, #tpu.memory_space<hbm>>
      %dma_start3A_296 = arith.constant 0 : i32
      %dma_start3A_297 = tpu.memref_slice %arg18[%add3A_233, %dma_start3A_296] : memref<4x128xf32, #tpu.memory_space<vmem>> -> memref<1x128xf32, #tpu.memory_space<vmem>>
      %dma_start3A_298 = tpu.memref_squeeze %dma_start3A_297 : memref<1x128xf32, #tpu.memory_space<vmem>> -> memref<128xf32, #tpu.memory_space<vmem>>
      tpu.enqueue_dma source(%dma_start3A_298 : memref<128xf32, #tpu.memory_space<vmem>>) target(%dma_start3A_295 : memref<128xf32, #tpu.memory_space<hbm>>) target_semaphore(%arg22 : memref<!tpu.dma_semaphore, #tpu.memory_space<semaphore_mem>>)
      %mul3A_299 = arith.constant 128 : i32
      %mul3A_300 = arith.muli %add3A_233, %mul3A_299 : i32
      %add3A_301 = arith.addi %mul3A_2, %mul3A_300 : i32
      %dma_start3A_302 = arith.constant 0 : i32
      %dma_start3A_303 = tpu.memref_slice %arg19[%add3A_233, %dma_start3A_302] : memref<4x128xf32, #tpu.memory_space<vmem>> -> memref<1x128xf32, #tpu.memory_space<vmem>>
      %dma_start3A_304 = tpu.memref_squeeze %dma_start3A_303 : memref<1x128xf32, #tpu.memory_space<vmem>> -> memref<128xf32, #tpu.memory_space<vmem>>
      %dma_start3A_305 = tpu.memref_slice %arg8[%add3A_301] : memref<16384xf32, #tpu.memory_space<hbm>> -> memref<128xf32, #tpu.memory_space<hbm>>
      %dma_start3A_306 = tpu.memref_slice %arg8[%add3A_301] : memref<16384xf32, #tpu.memory_space<hbm>> -> memref<128xf32, #tpu.memory_space<hbm>>
      %dma_start3A_307 = arith.constant 0 : i32
      %dma_start3A_308 = tpu.memref_slice %arg19[%add3A_233, %dma_start3A_307] : memref<4x128xf32, #tpu.memory_space<vmem>> -> memref<1x128xf32, #tpu.memory_space<vmem>>
      %dma_start3A_309 = tpu.memref_squeeze %dma_start3A_308 : memref<1x128xf32, #tpu.memory_space<vmem>> -> memref<128xf32, #tpu.memory_space<vmem>>
      tpu.enqueue_dma source(%dma_start3A_309 : memref<128xf32, #tpu.memory_space<vmem>>) target(%dma_start3A_306 : memref<128xf32, #tpu.memory_space<hbm>>) target_semaphore(%arg22 : memref<!tpu.dma_semaphore, #tpu.memory_space<semaphore_mem>>)
      %dma_wait3A_310 = arith.constant 0 : i32
      %dma_wait3A_311 = tpu.memref_slice %arg18[%mul3A_49, %dma_wait3A_310] : memref<4x128xf32, #tpu.memory_space<vmem>> -> memref<1x128xf32, #tpu.memory_space<vmem>>
      %dma_wait3A_312 = tpu.memref_squeeze %dma_wait3A_311 : memref<1x128xf32, #tpu.memory_space<vmem>> -> memref<128xf32, #tpu.memory_space<vmem>>
      %dma_wait3A_313 = tpu.memref_slice %arg7[%add3A_191] : memref<16384xf32, #tpu.memory_space<hbm>> -> memref<128xf32, #tpu.memory_space<hbm>>
      %dma_wait3A_314 = tpu.memref_slice %arg7[%add3A_191] : memref<16384xf32, #tpu.memory_space<hbm>> -> memref<128xf32, #tpu.memory_space<hbm>>
      %dma_wait3A_315 = arith.constant 0 : i32
      %dma_wait3A_316 = tpu.memref_slice %arg18[%mul3A_49, %dma_wait3A_315] : memref<4x128xf32, #tpu.memory_space<vmem>> -> memref<1x128xf32, #tpu.memory_space<vmem>>
      %dma_wait3A_317 = tpu.memref_squeeze %dma_wait3A_316 : memref<1x128xf32, #tpu.memory_space<vmem>> -> memref<128xf32, #tpu.memory_space<vmem>>
      tpu.wait_dma2 semaphore(%arg22 : memref<!tpu.dma_semaphore, #tpu.memory_space<semaphore_mem>>) src(%dma_wait3A_317 : memref<128xf32, #tpu.memory_space<vmem>>) dst(%dma_wait3A_314 : memref<128xf32, #tpu.memory_space<hbm>>)
      %dma_wait3A_318 = arith.constant 0 : i32
      %dma_wait3A_319 = tpu.memref_slice %arg19[%mul3A_49, %dma_wait3A_318] : memref<4x128xf32, #tpu.memory_space<vmem>> -> memref<1x128xf32, #tpu.memory_space<vmem>>
      %dma_wait3A_320 = tpu.memref_squeeze %dma_wait3A_319 : memref<1x128xf32, #tpu.memory_space<vmem>> -> memref<128xf32, #tpu.memory_space<vmem>>
      %dma_wait3A_321 = tpu.memref_slice %arg8[%add3A_202] : memref<16384xf32, #tpu.memory_space<hbm>> -> memref<128xf32, #tpu.memory_space<hbm>>
      %dma_wait3A_322 = tpu.memref_slice %arg8[%add3A_202] : memref<16384xf32, #tpu.memory_space<hbm>> -> memref<128xf32, #tpu.memory_space<hbm>>
      %dma_wait3A_323 = arith.constant 0 : i32
      %dma_wait3A_324 = tpu.memref_slice %arg19[%mul3A_49, %dma_wait3A_323] : memref<4x128xf32, #tpu.memory_space<vmem>> -> memref<1x128xf32, #tpu.memory_space<vmem>>
      %dma_wait3A_325 = tpu.memref_squeeze %dma_wait3A_324 : memref<1x128xf32, #tpu.memory_space<vmem>> -> memref<128xf32, #tpu.memory_space<vmem>>
      tpu.wait_dma2 semaphore(%arg22 : memref<!tpu.dma_semaphore, #tpu.memory_space<semaphore_mem>>) src(%dma_wait3A_325 : memref<128xf32, #tpu.memory_space<vmem>>) dst(%dma_wait3A_322 : memref<128xf32, #tpu.memory_space<hbm>>)
      %dma_wait3A_326 = arith.constant 0 : i32
      %dma_wait3A_327 = tpu.memref_slice %arg18[%add3A_233, %dma_wait3A_326] : memref<4x128xf32, #tpu.memory_space<vmem>> -> memref<1x128xf32, #tpu.memory_space<vmem>>
      %dma_wait3A_328 = tpu.memref_squeeze %dma_wait3A_327 : memref<1x128xf32, #tpu.memory_space<vmem>> -> memref<128xf32, #tpu.memory_space<vmem>>
      %dma_wait3A_329 = tpu.memref_slice %arg7[%add3A_290] : memref<16384xf32, #tpu.memory_space<hbm>> -> memref<128xf32, #tpu.memory_space<hbm>>
      %dma_wait3A_330 = tpu.memref_slice %arg7[%add3A_290] : memref<16384xf32, #tpu.memory_space<hbm>> -> memref<128xf32, #tpu.memory_space<hbm>>
      %dma_wait3A_331 = arith.constant 0 : i32
      %dma_wait3A_332 = tpu.memref_slice %arg18[%add3A_233, %dma_wait3A_331] : memref<4x128xf32, #tpu.memory_space<vmem>> -> memref<1x128xf32, #tpu.memory_space<vmem>>
      %dma_wait3A_333 = tpu.memref_squeeze %dma_wait3A_332 : memref<1x128xf32, #tpu.memory_space<vmem>> -> memref<128xf32, #tpu.memory_space<vmem>>
      tpu.wait_dma2 semaphore(%arg22 : memref<!tpu.dma_semaphore, #tpu.memory_space<semaphore_mem>>) src(%dma_wait3A_333 : memref<128xf32, #tpu.memory_space<vmem>>) dst(%dma_wait3A_330 : memref<128xf32, #tpu.memory_space<hbm>>)
      %dma_wait3A_334 = arith.constant 0 : i32
      %dma_wait3A_335 = tpu.memref_slice %arg19[%add3A_233, %dma_wait3A_334] : memref<4x128xf32, #tpu.memory_space<vmem>> -> memref<1x128xf32, #tpu.memory_space<vmem>>
      %dma_wait3A_336 = tpu.memref_squeeze %dma_wait3A_335 : memref<1x128xf32, #tpu.memory_space<vmem>> -> memref<128xf32, #tpu.memory_space<vmem>>
      %dma_wait3A_337 = tpu.memref_slice %arg8[%add3A_301] : memref<16384xf32, #tpu.memory_space<hbm>> -> memref<128xf32, #tpu.memory_space<hbm>>
      %dma_wait3A_338 = tpu.memref_slice %arg8[%add3A_301] : memref<16384xf32, #tpu.memory_space<hbm>> -> memref<128xf32, #tpu.memory_space<hbm>>
      %dma_wait3A_339 = arith.constant 0 : i32
      %dma_wait3A_340 = tpu.memref_slice %arg19[%add3A_233, %dma_wait3A_339] : memref<4x128xf32, #tpu.memory_space<vmem>> -> memref<1x128xf32, #tpu.memory_space<vmem>>
      %dma_wait3A_341 = tpu.memref_squeeze %dma_wait3A_340 : memref<1x128xf32, #tpu.memory_space<vmem>> -> memref<128xf32, #tpu.memory_space<vmem>>
      tpu.wait_dma2 semaphore(%arg22 : memref<!tpu.dma_semaphore, #tpu.memory_space<semaphore_mem>>) src(%dma_wait3A_341 : memref<128xf32, #tpu.memory_space<vmem>>) dst(%dma_wait3A_338 : memref<128xf32, #tpu.memory_space<hbm>>)
    }
    %scan3A_46 = arith.constant 2 : i32
    return
  }
}

</mosaic_0001>

<sc_bundles>
// kernel: kernel.3.cloned.1.call-start
scs
__scs_entry_jumppad:
0x0: {  	(pc) =	sbr.rel $0x88, $3  }
0x1: {  	(tag) =	ssettag $0x0;
	lr =	simm.s32 $0x1  }
0x2: {  	[smem:$0x3F9C] =	sst lr;
	_ =	strace $0xD0000000  }
0x3: {  	_ = 	snop  }
0x4: {  	_ = 	snop  }
0x5: {  	_ = 	snop  }
0x6: {  	_ = 	snop  }
0x7: {  	_ = 	snop  }
__scs_overlays_trampoline_lowered:
0x8: {  	[smem:$0x3FAB] =	sst s0  }
0x9: {  	[smem:$0x3FAC] =	sst s1  }
0xa: {  	[smem:$0x3FAD] =	sst s2  }
0xb: {  	[smem:$0x3FAE] =	sst s3  }
0xc: {  	[smem:$0x3FAF] =	sst s4  }
0xd: {  	[smem:$0x3FB0] =	sst s5  }
0xe: {  	[smem:$0x3FB1] =	sst s6  }
0xf: {  	[smem:$0x3FB2] =	sst s7  }
0x10: {  	[smem:$0x3FB3] =	sst s8  }
0x11: {  	[smem:$0x3FB4] =	sst s9;
	s0 =	simm.s32 @!p0 $0x0  }
0x12: {  	s1 =	sld [smem:$0x3F9A];
	s0 =	simm.s32 @p0 $0x1  }
0x13: {  	[smem:$0x3FB5] =	sst s0;
	s0 =	simm.s32 @!p1 $0x0  }
0x14: {  	s2 =	sld [smem:$0x3F99];
	s0 =	simm.s32 @p1 $0x1  }
0x15: {  	[smem:$0x3FB6] =	sst s0;
	s0 =	simm.s32 @!p2 $0x0  }
0x16: {  	s3 =	sld [smem:$0x3FDB];
	s0 =	simm.s32 @p2 $0x1  }
0x17: {  	s4 =	simm.s32 $0x1BF5;
	[smem:$0x3FB8] =	sst s0  }
0x18: {  	s0 =	sld [smem:$0x3F9B];
	_ =	swait.ge [sflag:s4], $0x0  }
0x19: {  	s7 =	sld [smem:$0x3F9C]  }
0x1a: {  	s8 =	sadd.s32 $0xFFFFE003, lr  }
0x1b: {  	s9 =	sadd.s32 $0xFFFFFEF7, lr;
	s5 =	simm.s32 $0xFFFFFFFF;
	p2 =	slt.u32 s8, $0xFFFFF086  }
0x1c: {  	p1 =	slt.u32 s9, $0xF7A;
	s5 =	simm.s32 @!p2 $0x0  }
0x1d: {  	s5 =	simm.s32 @p1 $0x1;
	p0 =	seq.s32 s7, s2  }
0x1e: {  	s7 =	smul.u32 @!p0 $0xF7A, s2;
	p2 =	seq.s32 @!p0 s5, $0x0  }
0x1f: {  	s9 =	smul.u32 $0xF7A, s1;
	s8 =	simm.s32 @!p0 $0x1BF5;
	p2 =	por !p2, p0  }
0x20: {  	[sflag:s8] =	ssyncset.s32 @!p0 $0xFFFFF086;
	s6 =	sadd.s32 @!p0 s3, s7;
	s7 =	simm.s32 @!p0 $0x108  }
0x21: {  	s3 =	sadd.s32 s3, s9;
	s6 =	sadd.s32 @!p0 $0x88, s6;
	s7 =	simm.s32 @p2 $0x1082  }
0x22: {  	[simem:s7], [sflag:s8] =	dma.local @!p0 [hbm:s6], $0xF7A  }
0x23: {  	s9 =	sor.u32 $0xD0000000, s2;
	s6 =	simm.s32 $0x108;
	_ =	swait.ge @!p0 [sflag:s8], $0x0  }
0x24: {  	s3 =	sadd.s32 $0x88, s3;
	s6 =	simm.s32 @!p1 $0x1082;
	[sflag:s4] =	ssyncset.s32 $0xFFFFF086  }
0x25: {  	[simem:s6], [sflag:s4] =	dma.local [hbm:s3], $0xF7A  }
0x26: {  	[smem:$0x3F9C] =	sst s1;
	(tag) =	ssettag s2;
	_ =	strace s9  }
0x27: {  	s1 =	sld [smem:$0x3FAC]  }
0x28: {  	s2 =	sld [smem:$0x3FAD]  }
0x29: {  	s4 =	sld [smem:$0x3FAF]  }
0x2a: {  	p0 =	seq.s32 s5, $0x0;
	s5 =	sld [smem:$0x3FB0]  }
0x2b: {  	s6 =	sld [smem:$0x3FB1]  }
0x2c: {  	s7 =	sld [smem:$0x3FB2]  }
0x2d: {  	s3 =	simm.s32 $0x108;
	s8 =	sld [smem:$0x3FB3]  }
0x2e: {  	s3 =	simm.s32 @!p0 $0x1082;
	s9 =	sld [smem:$0x3FB4]  }
0x2f: {  	lr =	sadd.s32 s0, s3;
	s0 =	sld [smem:$0x3FAB]  }
0x30: {  	s3 =	sld [smem:$0x3FAE]  }
0x31: {  	[smem:$0x3FB7] =	sst s10  }
0x32: {  	s10 =	sld [smem:$0x3FB5];
	_ =	sdelay $0x3  }
0x33: {  	p0 =	seq.s32 s10, $0x1;
	s10 =	sld [smem:$0x3FB7];
	_ =	sdelay $0x3  }
0x34: {  	[smem:$0x3FB7] =	sst s10  }
0x35: {  	s10 =	sld [smem:$0x3FB6];
	_ =	sdelay $0x3  }
0x36: {  	p1 =	seq.s32 s10, $0x1;
	s10 =	sld [smem:$0x3FB7];
	_ =	sdelay $0x3  }
0x37: {  	[smem:$0x3FB7] =	sst s10  }
0x38: {  	s10 =	sld [smem:$0x3FB8]  }
0x39: {  	_ = 	snop;
	(pc) =	sbr.ind lr, $3  }
0x3a: {  	_ = 	snop  }
0x3b: {  	_ = 	snop  }
0x3c: {  	p2 =	seq.s32 s10, $0x1;
	s10 =	sld [smem:$0x3FB7]  }
0x3d: {  	_ =	shalt  }
0x3e: {  	_ =	shalt  }
0x3f: {  	_ =	shalt  }
0x40: {  	_ =	shalt  }
0x41: {  	_ =	shalt  }
0x42: {  	_ =	shalt  }
0x43: {  	_ =	shalt  }
0x44: {  	_ =	shalt  }
0x45: {  	_ =	shalt  }
0x46: {  	_ =	shalt  }
0x47: {  	_ =	shalt  }
0x48: {  	_ =	shalt  }
0x49: {  	_ =	shalt  }
0x4a: {  	_ =	shalt  }
0x4b: {  	_ =	shalt  }
0x4c: {  	_ =	shalt  }
0x4d: {  	_ =	shalt  }
0x4e: {  	_ =	shalt  }
0x4f: {  	_ =	shalt  }
0x50: {  	_ =	shalt  }
0x51: {  	_ =	shalt  }
0x52: {  	_ =	shalt  }
0x53: {  	_ =	shalt  }
0x54: {  	_ =	shalt  }
0x55: {  	_ =	shalt  }
0x56: {  	_ =	shalt  }
0x57: {  	_ =	shalt  }
0x58: {  	_ =	shalt  }
0x59: {  	_ =	shalt  }
0x5a: {  	_ =	shalt  }
0x5b: {  	_ =	shalt  }
0x5c: {  	_ =	shalt  }
0x5d: {  	_ =	shalt  }
0x5e: {  	_ =	shalt  }
0x5f: {  	_ =	shalt  }
0x60: {  	_ =	shalt  }
0x61: {  	_ =	shalt  }
0x62: {  	_ =	shalt  }
0x63: {  	_ =	shalt  }
0x64: {  	_ =	shalt  }
0x65: {  	_ =	shalt  }
0x66: {  	_ =	shalt  }
0x67: {  	_ =	shalt  }
0x68: {  	_ =	shalt  }
0x69: {  	_ =	shalt  }
0x6a: {  	_ =	shalt  }
0x6b: {  	_ =	shalt  }
0x6c: {  	_ =	shalt  }
0x6d: {  	_ =	shalt  }
0x6e: {  	_ =	shalt  }
0x6f: {  	_ =	shalt  }
0x70: {  	_ =	shalt  }
0x71: {  	_ =	shalt  }
0x72: {  	_ =	shalt  }
0x73: {  	_ =	shalt  }
0x74: {  	_ =	shalt  }
0x75: {  	_ =	shalt  }
0x76: {  	_ =	shalt  }
0x77: {  	_ =	shalt  }
0x78: {  	_ =	shalt  }
0x79: {  	_ =	shalt  }
0x7a: {  	_ =	shalt  }
0x7b: {  	_ =	shalt  }
0x7c: {  	_ =	shalt  }
0x7d: {  	_ =	shalt  }
0x7e: {  	_ =	shalt  }
0x7f: {  	_ =	shalt  }
0x80: {  	_ =	shalt  }
0x81: {  	_ =	shalt  }
0x82: {  	_ =	shalt  }
0x83: {  	_ =	shalt  }
0x84: {  	_ =	shalt  }
0x85: {  	_ =	shalt  }
0x86: {  	_ =	shalt  }
0x87: {  	_ =	shalt  }
.Lfunc_end0:
.L_simem_size_0:
called_computation_lowered:
.L_overlay_start_0:
0x88: {  	s2 =	sld [smem:$0x3FD9]  }
0x89: {  	s3 =	sld [smem:$0x3FFE];
	_ =	sdelay $0x1  }
0x8a: {  	s1 =	srdreg.scid  }
0x8b: {  	s0 =	sand.u32 $0x1, s1  }
0x8c: {  	s15 =	sshll.u32 s0, $0xA;
	s2 =	sadd.s32 s3, s2  }
0x8d: {  	s2 =	sadd.s32 s2, s15  }
0x8e: {  	[smem:$0x3FC3] =	sst s2  }
0x8f: {  	_ = 	snop  }
0x90: {  	s2 =	sld [smem:$0x3FC9]  }
0x91: {  	s16 =	sld [smem:$0x3FC8]  }
0x92: {  	s4 =	sld [smem:$0x3FD0]  }
0x93: {  	s5 =	sld [smem:$0x3FC7]  }
0x94: {  	s6 =	sld [smem:$0x3FC6]  }
0x95: {  	s8 =	simm.s32 $0xA;
	s9 =	simm.s32 $0x10;
	s7 =	sld [smem:$0x3FC5]  }
0x96: {  	[smem:s9], [sflag:s8] =	dma.local [hbm:s4], $0x1  }
0x97: {  	_ =	swait.eq [sflag:s8], $0x1  }
0x98: {  	[sflag:s8] =	ssyncset.done $0x0  }
0x99: {  	s17 =	sld [smem:$0x10];
	[sflag:s8] =	ssyncadd.s32 $0xFFFFFFFF  }
0x9a: {  	s18 =	sld [smem:$0x11];
	(tm) =	ssettm $0x1  }
0x9b: {  	s19 =	sld [smem:$0x3FFB];
	_ =	sdelay $0x3  }
0x9c: {  	_ =	strace s19  }
0x9d: {  	s9 =	sld [smem:$0x3FFC];
	_ =	sdelay $0x3  }
0x9e: {  	_ =	strace s9  }
0x9f: {  	s9 =	sld [smem:$0x3FFD];
	_ =	sdelay $0x3  }
0xa0: {  	_ =	strace s9  }
0xa1: {  	_ =	strace $0x8FFFFFFF  }
0xa2: {  	s20 =	sld [smem:$0x3FDB];
	_ =	sdelay $0x1  }
0xa3: {  	s10 =	simm.s32 $_scs_section_size  }
0xa4: {  	s11 =	simm.s32 $_size__tile_overlayer_lowered;
	s12 =	simm.s32 $_tile_overlayer_lowered  }
0xa5: {  	s23 =	simm.s32 $0x1BFF;
	s22 =	sshll.u32 s12, $0x1;
	s9 =	sadd.s32 s10, s20  }
0xa6: {  	s13 =	simm.s32 $0x0;
	s21 =	sshll.u32 s11, $0x1;
	s11 =	sadd.s32 s22, s9  }
0xa7: {  	[timem:s13], [sflag:s23] =	dma.local [hbm:s11], s21  }
0xa8: {  	_ =	swait.ge [sflag:s23], s21  }
0xa9: {  	s10 =	ssub.s32 $0x0, s21;
	[sflag:s23] =	ssyncset.done $0x0  }
0xaa: {  	[sflag:s23] =	ssyncadd.s32 s10;
	_ =	sdelay $0x1  }
0xab: {  	s24 =	simm.s32 $0x1B8B  }
0xac: {  	_ =	swait.ge [sflag:s24], $0x1  }
0xad: {  	[sflag:s24] =	ssyncset.done $0x0  }
0xae: {  	s25 =	simm.s32 $0x1B8E;
	[sflag:s24] =	ssyncadd.s32 $0xFFFFFFFF  }
0xaf: {  	s26 =	simm.s32 $execute0_lowered;
	[smem:$0x3FD2] =	sst s25  }
0xb0: {  	s10 =	sshll.u32 s26, $0x1;
	_ =	strace $0x80000046;
	[dreg:$0x1] =	wrdreg $0xFFFFFFFF  }
0xb1: {  	s28 =	simm.s32 $_size_execute0_lowered;
	s9 =	sadd.s32 s9, s10;
	[dreg:$0x0] =	wrdreg $0x0  }
0xb2: {  	s10 =	sshll.u32 s28, $0x1;
	[dreg:$0x2] =	wrdreg s9  }
0xb3: {  	[dreg:$0x3] =	wrdreg s10  }
0xb4: {  	[dreg:$0x4] =	wrdreg $0xC0  }
0xb5: {  	_ =	task [dreg:s13], $0x5FFFF  }
0xb6: {  	[dreg:$0x1] =	wrdreg $0xFFFFFFFF  }
0xb7: {  	[dreg:$0x0] =	wrdreg $0x60  }
0xb8: {  	[dreg:$0x2] =	wrdreg s2  }
0xb9: {  	[dreg:$0x3] =	wrdreg s16  }
0xba: {  	[dreg:$0x4] =	wrdreg s5  }
0xbb: {  	[dreg:$0x5] =	wrdreg s6  }
0xbc: {  	[dreg:$0x6] =	wrdreg s7  }
0xbd: {  	[dreg:$0x7] =	wrdreg s17  }
0xbe: {  	[dreg:$0x8] =	wrdreg s18  }
0xbf: {  	[dreg:$0x9] =	wrdreg $0x9  }
0xc0: {  	_ =	task.clear_ibuf [dreg:s13], $0xAFFFF;
	_ =	strace $0x90000046  }
0xc1: {  	s29 =	simm.s32 $0x9;
	_ =	strace $0x80000048  }
0xc2: {  	_ =	swait.ge [sflag:s29], $0x1  }
0xc3: {  	[sflag:s29] =	ssyncadd.s32 $0xFFFFFFFF  }
0xc4: {  	_ =	strace $0x90000048  }
0xc5: {  	_ =	sfence  }
0xc6: {  	s30 =	sld [smem:$0x0];
	_ =	sdelay $0x2  }
0xc7: {  	s31 =	sshll.u32 s1, $0xD;
	s1 =	sshrl.u32 s1, $0x2  }
0xc8: {  	s3 =	sand.u32 $0x4000, s31;
	s1 =	sadd.s32 s1, s30  }
0xc9: {  	s0 =	sor.u32 s3, s0;
	s1 =	sshll.u32 s1, $0x11  }
0xca: {  	s0 =	sor.u32 s1, s0  }
0xcb: {  	s0 =	sadd.s32 $0x8F2B, s0  }
0xcc: {  	[sflag:s0] =	ssyncadd.remote.s32 $0x1  }
0xcd: {  	_ =	sfence.sel $0xFFFF  }
0xce: {  	[dreg:$0x0] =	wrdreg $0xFFFFFFFF;
	(pc) =	sbr.abs _section_cstart, $3  }
0xcf: {  	[dreg:$0x1] =	wrdreg $0xFFFFFFFF  }
0xd0: {  	_ =	task.clear_ibuf [dreg:s13], $0x2FFFF;
	_ =	strace $0x9FFFFFFF  }
0xd1: {  	(tm) =	ssettm $0x7FFFFFFF  }
tec
execute0_lowered:
.L_overlay_start_1:
0x0: {  	(tag) =	ssettag $0x1  }
0x1: {  	s0 =	rddreg [dreg:$0x0]  }
0x2: {  	s1 =	rddreg [dreg:$0x1]  }
0x3: {  	s3 =	rddreg [dreg:$0x2]  }
0x4: {  	s4 =	rddreg [dreg:$0x3]  }
0x5: {  	s5 =	rddreg [dreg:$0x4]  }
0x6: {  	s6 =	rddreg [dreg:$0x5]  }
0x7: {  	s7 =	rddreg [dreg:$0x6];
	s2 =	srdreg.scid  }
0x8: {  	s8 =	simm.s32 $0x0;
	s11 =	stileid.u32;
	s12 =	simm.s32 $0x4  }
0x9: {  	s13 =	simm.s32 $0x200;
	s14 =	simm.s32 $0x400;
	s15 =	simm.s32 $0x80  }
0xa: {  	s16 =	simm.s32 $0x600;
	s17 =	simm.s32 $0x4600;
	s18 =	simm.s32 $0x8600  }
0xb: {  	s19 =	simm.s32 $0x280;
	s20 =	simm.s32 $0x480;
	s21 =	simm.s32 $0xC600  }
0xc: {  	v0 =	vlaneseq.u32;
	s22 =	simm.s32 $0x10600;
	s23 =	simm.s32 $0x14600;
	s2 =	sand.u32 $0x1, s2  }
0xd: {  	s24 =	simm.s32 $0x1;
	s25 =	simm.s32 $0x2;
	v1 =	vmul.u32 $0x80, v0;
	s9 =	ssub.s32 $0x2, s2  }
0xe: {  	s26 =	simm.s32 $0x3;
	s28 =	simm.s32 $0x0;
	s10 =	sshrl.u32 s9, $0x1  }
0xf: {  	[smem:$0x7FF] =	sst s8;
	s30 =	sshll.u32 s11, $0xA;
	v2 =	vor.u32 $0x800, v1;
	s9 =	ssub.s32 s9, s10  }
0x10: {  	_ =	strace $0x80000047;
	s2 =	sshll.u32 s2, $0x9;
	v3 =	vor.u32 $0x1000, v1;
	v4 =	vor.u32 $0x1800, v1;
	v5 =	vor.u32 $0x2000, v1;
	s31 =	smax.u32 s9, $0x1  }
0x11: {  	v6 =	vor.u32 $0x2800, v1;
	v7 =	vor.u32 $0x3000, v1;
	v8 =	vor.u32 $0x3800, v1;
	s10 =	sor.u32 s2, s30;
	s9 =	simm.s32 $0x0;
	[dreg:$0x8] =	wrdreg s31  }
.LBB2_1:
0x12: {  	[dreg:$0x9] =	wrdreg s9;
	p1 =	por $0x1, $0x1;
	s29 =	simm.s32 $0x0  }
.LBB2_2:
0x13: {  	s2 =	sor.u32 s10, s29  }
0x14: {  	s2 =	sshrl.u32 s2, $0x3  }
0x15: {  	s11 =	simm.s32 $0x0;
	s9 =	sadd.s32 s0, s2  }
0x16: {  	[tilespmem:s11], [sflag:$0x4] =	stream.linear.gather [hbm4b:s9+s11], $0x80, $0x38;
	[tilespmem:$0x18A00] =	vst v63  }
0x17: {  	_ =	swait.ge [sflag:s12], $0x80  }
0x18: {  	[sflag:s12] =	ssyncset.done $0x0  }
0x19: {  	s9 =	sadd.s32 s1, s2;
	[sflag:s12] =	ssyncadd.s32 $0xFFFFFF80  }
0x1a: {  	[tilespmem:s13], [sflag:$0x4] =	stream.linear.gather [hbm4b:s9+s11], $0x80, $0x38;
	[tilespmem:$0x18A00] =	vst v63  }
0x1b: {  	_ =	swait.ge [sflag:s12], $0x80  }
0x1c: {  	[sflag:s12] =	ssyncset.done $0x0  }
0x1d: {  	s9 =	sadd.s32 s3, s2;
	[sflag:s12] =	ssyncadd.s32 $0xFFFFFF80  }
0x1e: {  	[tilespmem:s14], [sflag:$0x4] =	stream.linear.gather [hbm4b:s9+s11], $0x80, $0x38;
	[tilespmem:$0x18A00] =	vst v63  }
0x1f: {  	_ =	swait.ge [sflag:s12], $0x80  }
0x20: {  	[sflag:s12] =	ssyncset.done $0x0  }
0x21: {  	s30 =	sor.u32 $0x80, s29;
	[sflag:s12] =	ssyncadd.s32 $0xFFFFFF80  }
0x22: {  	[tilespmem:s16], [sflag:$0x1] =	stream.indirect.gather [hbm4b:s4+s15], $0x80, s11, s15, $0xb8;
	[tilespmem:$0x18A00] =	vst v63  }
0x23: {  	s9 =	sor.u32 s10, s30  }
0x24: {  	[tilespmem:s17], [sflag:$0x1] =	stream.indirect.gather [hbm4b:s5+s15], $0x80, s13, s15, $0xb8;
	[tilespmem:$0x18A00] =	vst v63  }
0x25: {  	s31 =	sshrl.u32 s9, $0x3  }
0x26: {  	[tilespmem:s18], [sflag:$0x1] =	stream.indirect.gather [hbm4b:s5+s15], $0x80, s14, s15, $0xb8;
	[tilespmem:$0x18A00] =	vst v63  }
0x27: {  	s9 =	sadd.s32 s0, s31  }
0x28: {  	[tilespmem:s15], [sflag:$0x4] =	stream.linear.gather [hbm4b:s9+s11], $0x80, $0x38;
	[tilespmem:$0x18A00] =	vst v63  }
0x29: {  	_ =	swait.ge [sflag:s12], $0x80  }
0x2a: {  	[sflag:s12] =	ssyncset.done $0x0  }
0x2b: {  	s9 =	sadd.s32 s1, s31;
	[sflag:s12] =	ssyncadd.s32 $0xFFFFFF80  }
0x2c: {  	[tilespmem:s19], [sflag:$0x4] =	stream.linear.gather [hbm4b:s9+s11], $0x80, $0x38;
	[tilespmem:$0x18A00] =	vst v63  }
0x2d: {  	_ =	swait.ge [sflag:s12], $0x80  }
0x2e: {  	[sflag:s12] =	ssyncset.done $0x0  }
0x2f: {  	s9 =	sadd.s32 s3, s31;
	[sflag:s12] =	ssyncadd.s32 $0xFFFFFF80  }
0x30: {  	[tilespmem:s20], [sflag:$0x4] =	stream.linear.gather [hbm4b:s9+s11], $0x80, $0x38;
	[tilespmem:$0x18A00] =	vst v63  }
0x31: {  	_ =	swait.ge [sflag:s12], $0x80  }
0x32: {  	[sflag:s12] =	ssyncset.done $0x0  }
0x33: {  	[sflag:s12] =	ssyncadd.s32 $0xFFFFFF80  }
0x34: {  	[tilespmem:s21], [sflag:$0x2] =	stream.indirect.gather [hbm4b:s4+s15], $0x80, s15, s15, $0xb8;
	[tilespmem:$0x18A00] =	vst v63  }
0x35: {  	_ = 	snop  }
0x36: {  	[tilespmem:s22], [sflag:$0x2] =	stream.indirect.gather [hbm4b:s5+s15], $0x80, s19, s15, $0xb8;
	[tilespmem:$0x18A00] =	vst v63  }
0x37: {  	_ = 	snop  }
0x38: {  	[tilespmem:s23], [sflag:$0x2] =	stream.indirect.gather [hbm4b:s5+s15], $0x80, s20, s15, $0xb8;
	[tilespmem:$0x18A00] =	vst v63  }
0x39: {  	_ =	swait.ge [sflag:s24], $0x4000  }
0x3a: {  	[sflag:s24] =	ssyncset.done $0x0  }
0x3b: {  	v9 =	vadd.s32 s11, v0;
	[sflag:s24] =	ssyncadd.s32 $0xFFFFC000  }
0x3c: {  	v9 =	vand.u32 $0x7F, v9;
	_ =	swait.ge [sflag:s24], $0x4000  }
0x3d: {  	v23 =	vor.u32 v8, v9;
	[sflag:s24] =	ssyncset.done $0x0  }
0x3e: {  	[sflag:s24] =	ssyncadd.s32 $0xFFFFC000  }
0x3f: {  	v11 =	vor.u32 v1, v9;
	_ =	swait.ge [sflag:s24], $0x4000  }
0x40: {  	[sflag:s24] =	ssyncset.done $0x0  }
0x41: {  	[sflag:s24] =	ssyncadd.s32 $0xFFFFC000  }
0x42: {  	v12 =	vor.u32 v2, v9;
	v10 =	vld.idx.msk [tilespmem:v23+s16+$0x0], $0xffff  }
0x43: {  	v13 =	vld.idx.msk [tilespmem:v23+s18+$0x0], $0xffff  }
0x44: {  	v14 =	vld.idx.msk [tilespmem:v11+s16+$0x0], $0xffff  }
0x45: {  	v15 =	vor.u32 v3, v9;
	v16 =	vld.idx.msk [tilespmem:v11+s17+$0x0], $0xffff  }
0x46: {  	v11 =	vld.idx.msk [tilespmem:v11+s18+$0x0], $0xffff  }
0x47: {  	v17 =	vld.idx.msk [tilespmem:v12+s16+$0x0], $0xffff  }
0x48: {  	v21 =	vor.u32 v4, v9;
	v18 =	vld.idx.msk [tilespmem:v12+s17+$0x0], $0xffff  }
0x49: {  	v26 =	vor.u32 v5, v9;
	v12 =	vld.idx.msk [tilespmem:v12+s18+$0x0], $0xffff  }
0x4a: {  	v22 =	vld.idx.msk [tilespmem:v15+s16+$0x0], $0xffff  }
0x4b: {  	v25 =	vld.idx.msk [tilespmem:v15+s18+$0x0], $0xffff  }
0x4c: {  	v24 =	vld.idx.msk [tilespmem:v15+s17+$0x0], $0xffff  }
0x4d: {  	v28 =	vor.u32 v6, v9;
	v29 =	vld.idx.msk [tilespmem:v21+s16+$0x0], $0xffff  }
0x4e: {  	v27 =	vor.u32 v7, v9;
	v31 =	vld.idx.msk [tilespmem:v26+s16+$0x0], $0xffff;
	v13 =	vmul.f32 v13, v10;
	v16 =	vmul.f32 v16, v14  }
0x4f: {  	v15 =	vimm.f32 $0.0e+00;
	v34 =	vld.idx.msk [tilespmem:v26+s17+$0x0], $0xffff;
	v11 =	vmul.f32 v11, v14;
	v14 =	vmul.f32 v18, v17  }
0x50: {  	v35 =	vld.idx.msk [tilespmem:v26+s18+$0x0], $0xffff;
	v26 =	vimm.f32 $0.0e+00;
	v12 =	vmul.f32 v12, v17;
	v18 =	vmul.f32 v25, v22  }
0x51: {  	v25 =	vimm.f32 $0.0e+00;
	v9 =	vadd.f32 v13, v15;
	v13 =	vld.idx.msk [tilespmem:v21+s17+$0x0], $0xffff;
	v19 =	vadd.f32 v16, v15  }
0x52: {  	s11 =	simm.s32 $0x1;
	v32 =	vld.idx.msk [tilespmem:v21+s18+$0x0], $0xffff;
	v20 =	vadd.f32 v11, v15;
	v11 =	vmul.f32 v24, v22;
	v21 =	vadd.f32 v14, v15  }
0x53: {  	v17 =	vadd.f32 v12, v15;
	v12 =	vadd.s32 s11, v0;
	v14 =	vadd.f32 v18, v15  }
0x54: {  	v24 =	vimm.f32 $0.0e+00;
	v22 =	vimm.f32 $0.0e+00;
	v18 =	vimm.f32 $0.0e+00  }
0x55: {  	v30 =	vld.idx.msk [tilespmem:v28+s16+$0x0], $0xffff;
	v37 =	vand.u32 $0x7F, v12;
	v12 =	vimm.f32 $0.0e+00;
	v16 =	vadd.f32 v11, v15  }
0x56: {  	p0 =	por p1, p1;
	s9 =	simm.s32 $0x2;
	v33 =	vld.idx.msk [tilespmem:v28+s17+$0x0], $0xffff;
	v11 =	vimm.f32 $0.0e+00;
	v36 =	vmul.f32 v13, v29;
	v13 =	vimm.f32 $0.0e+00  }
.LBB2_3:
0x57: {  	p1 =	sne.s32 s9, $0x7F;
	v38 =	vor.u32 v1, v37;
	v39 =	vor.u32 v2, v37;
	v40 =	vor.u32 v8, v37;
	v41 =	vld.idx.msk [tilespmem:v28+s18+$0x0], $0xffff  }
0x58: {  	v42 =	vor.u32 v3, v37;
	v43 =	vor.u32 v4, v37;
	v44 =	vor.u32 v5, v37;
	v45 =	vld.idx.msk [tilespmem:v27+s16+$0x0], $0xffff  }
0x59: {  	v28 =	vor.u32 v6, v37;
	v37 =	vor.u32 v7, v37;
	v29 =	vmul.f32 v32, v29;
	v32 =	vld.idx.msk [tilespmem:v27+s17+$0x0], $0xffff  }
0x5a: {  	v15 =	vadd.f32 v36, v15;
	v34 =	vmul.f32 v34, v31;
	v31 =	vmul.f32 v35, v31;
	v35 =	vld.idx.msk [tilespmem:v27+s18+$0x0], $0xffff  }
0x5b: {  	v26 =	vadd.f32 v29, v26;
	v27 =	vmov v37;
	v29 =	vld.idx.msk [tilespmem:v23+s17+$0x0], $0xffff;
	v23 =	vmov v40  }
0x5c: {  	v25 =	vadd.f32 v34, v25;
	v24 =	vadd.f32 v31, v24;
	v31 =	vmul.f32 v33, v30;
	v36 =	vld.idx.msk [tilespmem:v40+s16+$0x0], $0xffff  }
0x5d: {  	v30 =	vmul.f32 v41, v30;
	v33 =	vld.idx.msk [tilespmem:v40+s18+$0x0], $0xffff  }
0x5e: {  	v22 =	vadd.f32 v31, v22;
	v34 =	vld.idx.msk [tilespmem:v38+s16+$0x0], $0xffff  }
0x5f: {  	v18 =	vadd.f32 v30, v18;
	v30 =	vmul.f32 v32, v45;
	v31 =	vld.idx.msk [tilespmem:v38+s17+$0x0], $0xffff  }
0x60: {  	v35 =	vmul.f32 v35, v45;
	v32 =	vld.idx.msk [tilespmem:v38+s18+$0x0], $0xffff  }
0x61: {  	v13 =	vadd.f32 v30, v13;
	v29 =	vmul.f32 v29, v10;
	v37 =	vld.idx.msk [tilespmem:v39+s16+$0x0], $0xffff  }
0x62: {  	v12 =	vadd.f32 v35, v12;
	v10 =	vmov v36;
	v30 =	vld.idx.msk [tilespmem:v39+s17+$0x0], $0xffff  }
0x63: {  	v33 =	vmul.f32 v33, v10;
	v11 =	vadd.f32 v29, v11;
	v35 =	vld.idx.msk [tilespmem:v39+s18+$0x0], $0xffff  }
0x64: {  	v36 =	vld.idx.msk [tilespmem:v42+s16+$0x0], $0xffff  }
0x65: {  	v29 =	vmul.f32 v31, v34;
	v9 =	vadd.f32 v33, v9;
	v38 =	vld.idx.msk [tilespmem:v42+s17+$0x0], $0xffff  }
0x66: {  	v31 =	vmul.f32 v32, v34;
	v33 =	vld.idx.msk [tilespmem:v42+s18+$0x0], $0xffff  }
0x67: {  	v19 =	vadd.f32 v29, v19;
	v29 =	vld.idx.msk [tilespmem:v43+s16+$0x0], $0xffff  }
0x68: {  	v20 =	vadd.f32 v31, v20;
	v30 =	vmul.f32 v30, v37;
	v39 =	vld.idx.msk [tilespmem:v43+s17+$0x0], $0xffff  }
0x69: {  	v34 =	vmul.f32 v35, v37;
	v32 =	vld.idx.msk [tilespmem:v43+s18+$0x0], $0xffff  }
.Ltmp0:
0x6a: {  	v21 =	vadd.f32 v30, v21;
	v31 =	vld.idx.msk [tilespmem:v44+s16+$0x0], $0xffff;
	(pc) =	sbr.rel @p1 .LBB2_3-.Ltmp0, $4  }
0x6b: {  	v17 =	vadd.f32 v34, v17;
	v30 =	vmul.f32 v38, v36;
	v34 =	vld.idx.msk [tilespmem:v44+s17+$0x0], $0xffff  }
0x6c: {  	v33 =	vmul.f32 v33, v36;
	v35 =	vld.idx.msk [tilespmem:v44+s18+$0x0], $0xffff  }
0x6d: {  	v36 =	vadd.s32 s9, v0;
	v16 =	vadd.f32 v30, v16;
	v30 =	vld.idx.msk [tilespmem:v28+s16+$0x0], $0xffff  }
0x6e: {  	s9 =	sadd.s32 $0x1, s9;
	v37 =	vand.u32 $0x7F, v36;
	v14 =	vadd.f32 v33, v14;
	v36 =	vmul.f32 v39, v29;
	v33 =	vld.idx.msk [tilespmem:v28+s17+$0x0], $0xffff  }
0x6f: {  	_ =	sdelay $0x3  }
0x70: {  	v38 =	vor.u32 v8, v37;
	v28 =	vld.idx.msk [tilespmem:v28+s18+$0x0], $0xffff  }
0x71: {  	v39 =	vld.idx.msk [tilespmem:v27+s16+$0x0], $0xffff  }
0x72: {  	v40 =	vor.u32 v1, v37;
	v41 =	vld.idx.msk [tilespmem:v27+s17+$0x0], $0xffff  }
0x73: {  	v27 =	vld.idx.msk [tilespmem:v27+s18+$0x0], $0xffff  }
0x74: {  	v23 =	vld.idx.msk [tilespmem:v23+s17+$0x0], $0xffff  }
0x75: {  	v42 =	vor.u32 v2, v37;
	v43 =	vld.idx.msk [tilespmem:v38+s16+$0x0], $0xffff  }
0x76: {  	v44 =	vld.idx.msk [tilespmem:v38+s18+$0x0], $0xffff  }
0x77: {  	v45 =	vld.idx.msk [tilespmem:v40+s16+$0x0], $0xffff  }
0x78: {  	v46 =	vor.u32 v3, v37;
	v47 =	vld.idx.msk [tilespmem:v40+s17+$0x0], $0xffff  }
0x79: {  	v40 =	vld.idx.msk [tilespmem:v40+s18+$0x0], $0xffff  }
0x7a: {  	v48 =	vld.idx.msk [tilespmem:v42+s16+$0x0], $0xffff  }
0x7b: {  	v49 =	vor.u32 v4, v37;
	v50 =	vld.idx.msk [tilespmem:v42+s17+$0x0], $0xffff  }
0x7c: {  	v42 =	vld.idx.msk [tilespmem:v42+s18+$0x0], $0xffff  }
0x7d: {  	v51 =	vld.idx.msk [tilespmem:v46+s16+$0x0], $0xffff  }
0x7e: {  	v52 =	vor.u32 v5, v37;
	v53 =	vld.idx.msk [tilespmem:v46+s17+$0x0], $0xffff  }
0x7f: {  	v46 =	vld.idx.msk [tilespmem:v46+s18+$0x0], $0xffff  }
0x80: {  	v54 =	vld.idx.msk [tilespmem:v49+s16+$0x0], $0xffff  }
0x81: {  	v55 =	vor.u32 v6, v37;
	v56 =	vld.idx.msk [tilespmem:v49+s17+$0x0], $0xffff  }
0x82: {  	v49 =	vld.idx.msk [tilespmem:v49+s18+$0x0], $0xffff  }
0x83: {  	v57 =	vld.idx.msk [tilespmem:v52+s16+$0x0], $0xffff  }
0x84: {  	v37 =	vor.u32 v7, v37;
	v58 =	vld.idx.msk [tilespmem:v52+s17+$0x0], $0xffff  }
0x85: {  	v52 =	vld.idx.msk [tilespmem:v52+s18+$0x0], $0xffff  }
0x86: {  	v59 =	vld.idx.msk [tilespmem:v55+s16+$0x0], $0xffff  }
0x87: {  	v29 =	vmul.f32 v32, v29;
	v60 =	vld.idx.msk [tilespmem:v55+s17+$0x0], $0xffff  }
0x88: {  	v34 =	vmul.f32 v34, v31;
	v15 =	vadd.f32 v36, v15;
	v32 =	vld.idx.msk [tilespmem:v55+s18+$0x0], $0xffff;
	v47 =	vmul.f32 v47, v45  }
0x89: {  	v31 =	vmul.f32 v35, v31;
	v26 =	vadd.f32 v29, v26;
	v55 =	vld.idx.msk [tilespmem:v37+s16+$0x0], $0xffff;
	v45 =	vmul.f32 v40, v45  }
0x8a: {  	v25 =	vadd.f32 v34, v25;
	v61 =	vld.idx.msk [tilespmem:v37+s17+$0x0], $0xffff;
	v29 =	vmul.f32 v50, v48;
	v19 =	vadd.f32 v47, v19  }
0x8b: {  	v24 =	vadd.f32 v31, v24;
	v37 =	vld.idx.msk [tilespmem:v37+s18+$0x0], $0xffff;
	v62 =	vmul.f32 v42, v48;
	v20 =	vadd.f32 v45, v20  }
0x8c: {  	v63 =	vld.idx.msk [tilespmem:v38+s17+$0x0], $0xffff;
	v21 =	vadd.f32 v29, v21;
	v29 =	vmul.f32 v46, v51;
	[tilespmem:s29+$0x18600] =	vst v19  }
0x8d: {  	v28 =	vmul.f32 v28, v30;
	v17 =	vadd.f32 v62, v17;
	v19 =	vmul.f32 v53, v51;
	[tilespmem:s29+$0x18800] =	vst v20  }
0x8e: {  	v20 =	vmul.f32 v33, v30;
	[tilespmem:s29+$0x18610] =	vst v21;
	v14 =	vadd.f32 v29, v14;
	v21 =	vmul.f32 v49, v54  }
0x8f: {  	[tilespmem:s29+$0x18810] =	vst v17;
	v17 =	vadd.f32 v28, v18;
	v16 =	vadd.f32 v19, v16;
	v19 =	vmul.f32 v56, v54  }
0x90: {  	v18 =	vmul.f32 v58, v57;
	v20 =	vadd.f32 v20, v22;
	v21 =	vadd.f32 v21, v26;
	[tilespmem:s29+$0x18820] =	vst v14  }
0x91: {  	v15 =	vadd.f32 v19, v15;
	[tilespmem:s29+$0x18620] =	vst v16;
	v16 =	vmul.f32 v41, v39;
	v19 =	vmul.f32 v52, v57  }
0x92: {  	v14 =	vmul.f32 v27, v39;
	v18 =	vadd.f32 v18, v25;
	v22 =	vmul.f32 v60, v59;
	[tilespmem:s29+$0x18830] =	vst v21  }
0x93: {  	[tilespmem:s29+$0x18630] =	vst v15;
	v13 =	vadd.f32 v16, v13;
	v15 =	vadd.f32 v19, v24;
	v16 =	vmul.f32 v32, v59  }
0x94: {  	v10 =	vmul.f32 v23, v10;
	[tilespmem:s29+$0x18640] =	vst v18;
	v19 =	vadd.f32 v22, v20;
	v20 =	vmul.f32 v61, v55  }
0x95: {  	v12 =	vadd.f32 v14, v12;
	v14 =	vadd.f32 v16, v17;
	v16 =	vmul.f32 v37, v55;
	[tilespmem:s29+$0x18840] =	vst v15  }
0x96: {  	v10 =	vadd.f32 v10, v11;
	v11 =	vadd.f32 v20, v13;
	v13 =	vmul.f32 v63, v43;
	[tilespmem:s29+$0x18650] =	vst v19  }
0x97: {  	v15 =	vmul.f32 v44, v43;
	v12 =	vadd.f32 v16, v12;
	[tilespmem:s29+$0x18850] =	vst v14  }
0x98: {  	v10 =	vadd.f32 v13, v10;
	[tilespmem:s29+$0x18660] =	vst v11  }
0x99: {  	v9 =	vadd.f32 v15, v9;
	[tilespmem:s29+$0x18860] =	vst v12  }
0x9a: {  	[tilespmem:s29+$0x18670] =	vst v10  }
0x9b: {  	s9 =	sadd.s32 $0x18600, s29;
	s11 =	sadd.s32 s6, s2;
	[tilespmem:s29+$0x18870] =	vst v9  }
0x9c: {  	[hbm4b:s11+s28] =	stream.linear.scatter [tilespmem:s9], [sflag:$0x3], $0x80, $0x38;
	[tilespmem:$0x18A00] =	vst v63  }
0x9d: {  	s9 =	sadd.s32 $0x18800, s29;
	s11 =	sadd.s32 s7, s2  }
0x9e: {  	[hbm4b:s11+s28] =	stream.linear.scatter [tilespmem:s9], [sflag:$0x3], $0x80, $0x38;
	[tilespmem:$0x18A00] =	vst v63  }
0x9f: {  	_ =	swait.ge [sflag:s25], $0x4000  }
0xa0: {  	[sflag:s25] =	ssyncset.done $0x0  }
0xa1: {  	v9 =	vadd.s32 s28, v0;
	[sflag:s25] =	ssyncadd.s32 $0xFFFFC000  }
0xa2: {  	v9 =	vand.u32 $0x7F, v9;
	_ =	swait.ge [sflag:s25], $0x4000  }
0xa3: {  	v23 =	vor.u32 v8, v9;
	[sflag:s25] =	ssyncset.done $0x0  }
0xa4: {  	[sflag:s25] =	ssyncadd.s32 $0xFFFFC000  }
0xa5: {  	v11 =	vor.u32 v1, v9;
	_ =	swait.ge [sflag:s25], $0x4000  }
0xa6: {  	[sflag:s25] =	ssyncset.done $0x0  }
0xa7: {  	[sflag:s25] =	ssyncadd.s32 $0xFFFFC000  }
0xa8: {  	v12 =	vor.u32 v2, v9;
	v10 =	vld.idx.msk [tilespmem:v23+s21+$0x0], $0xffff  }
0xa9: {  	v13 =	vld.idx.msk [tilespmem:v23+s23+$0x0], $0xffff  }
0xaa: {  	v14 =	vld.idx.msk [tilespmem:v11+s21+$0x0], $0xffff  }
0xab: {  	v15 =	vor.u32 v3, v9;
	v16 =	vld.idx.msk [tilespmem:v11+s22+$0x0], $0xffff  }
0xac: {  	v11 =	vld.idx.msk [tilespmem:v11+s23+$0x0], $0xffff  }
0xad: {  	v17 =	vld.idx.msk [tilespmem:v12+s21+$0x0], $0xffff  }
0xae: {  	v21 =	vor.u32 v4, v9;
	v18 =	vld.idx.msk [tilespmem:v12+s22+$0x0], $0xffff  }
0xaf: {  	v26 =	vor.u32 v5, v9;
	v12 =	vld.idx.msk [tilespmem:v12+s23+$0x0], $0xffff  }
0xb0: {  	v22 =	vld.idx.msk [tilespmem:v15+s21+$0x0], $0xffff  }
0xb1: {  	v25 =	vld.idx.msk [tilespmem:v15+s23+$0x0], $0xffff  }
0xb2: {  	v24 =	vld.idx.msk [tilespmem:v15+s22+$0x0], $0xffff  }
0xb3: {  	v28 =	vor.u32 v6, v9;
	v29 =	vld.idx.msk [tilespmem:v21+s21+$0x0], $0xffff  }
0xb4: {  	v27 =	vor.u32 v7, v9;
	v31 =	vld.idx.msk [tilespmem:v26+s21+$0x0], $0xffff;
	v13 =	vmul.f32 v13, v10;
	v16 =	vmul.f32 v16, v14  }
0xb5: {  	v15 =	vimm.f32 $0.0e+00;
	v34 =	vld.idx.msk [tilespmem:v26+s22+$0x0], $0xffff;
	v11 =	vmul.f32 v11, v14;
	v14 =	vmul.f32 v18, v17  }
0xb6: {  	v35 =	vld.idx.msk [tilespmem:v26+s23+$0x0], $0xffff;
	v26 =	vimm.f32 $0.0e+00;
	v12 =	vmul.f32 v12, v17;
	v18 =	vmul.f32 v25, v22  }
0xb7: {  	v25 =	vimm.f32 $0.0e+00;
	v9 =	vadd.f32 v13, v15;
	v13 =	vld.idx.msk [tilespmem:v21+s22+$0x0], $0xffff;
	v19 =	vadd.f32 v16, v15  }
0xb8: {  	s11 =	simm.s32 $0x1;
	v32 =	vld.idx.msk [tilespmem:v21+s23+$0x0], $0xffff;
	v20 =	vadd.f32 v11, v15;
	v11 =	vmul.f32 v24, v22;
	v21 =	vadd.f32 v14, v15  }
0xb9: {  	v17 =	vadd.f32 v12, v15;
	v12 =	vadd.s32 s11, v0;
	v14 =	vadd.f32 v18, v15  }
0xba: {  	v24 =	vimm.f32 $0.0e+00;
	v22 =	vimm.f32 $0.0e+00;
	v18 =	vimm.f32 $0.0e+00  }
0xbb: {  	v30 =	vld.idx.msk [tilespmem:v28+s21+$0x0], $0xffff;
	v37 =	vand.u32 $0x7F, v12;
	v12 =	vimm.f32 $0.0e+00;
	v16 =	vadd.f32 v11, v15  }
0xbc: {  	s2 =	simm.s32 $0x2;
	v33 =	vld.idx.msk [tilespmem:v28+s22+$0x0], $0xffff;
	v11 =	vimm.f32 $0.0e+00;
	v36 =	vmul.f32 v13, v29;
	v13 =	vimm.f32 $0.0e+00  }
.LBB2_5:
0xbd: {  	p1 =	sne.s32 s2, $0x7F;
	v38 =	vor.u32 v1, v37;
	v39 =	vor.u32 v2, v37;
	v40 =	vor.u32 v8, v37;
	v41 =	vld.idx.msk [tilespmem:v28+s23+$0x0], $0xffff  }
0xbe: {  	v42 =	vor.u32 v3, v37;
	v43 =	vor.u32 v4, v37;
	v44 =	vor.u32 v5, v37;
	v45 =	vld.idx.msk [tilespmem:v27+s21+$0x0], $0xffff  }
0xbf: {  	v28 =	vor.u32 v6, v37;
	v37 =	vor.u32 v7, v37;
	v29 =	vmul.f32 v32, v29;
	v32 =	vld.idx.msk [tilespmem:v27+s22+$0x0], $0xffff  }
0xc0: {  	v15 =	vadd.f32 v36, v15;
	v34 =	vmul.f32 v34, v31;
	v31 =	vmul.f32 v35, v31;
	v35 =	vld.idx.msk [tilespmem:v27+s23+$0x0], $0xffff  }
0xc1: {  	v26 =	vadd.f32 v29, v26;
	v27 =	vmov v37;
	v29 =	vld.idx.msk [tilespmem:v23+s22+$0x0], $0xffff;
	v23 =	vmov v40  }
0xc2: {  	v25 =	vadd.f32 v34, v25;
	v24 =	vadd.f32 v31, v24;
	v31 =	vmul.f32 v33, v30;
	v36 =	vld.idx.msk [tilespmem:v40+s21+$0x0], $0xffff  }
0xc3: {  	v30 =	vmul.f32 v41, v30;
	v33 =	vld.idx.msk [tilespmem:v40+s23+$0x0], $0xffff  }
0xc4: {  	v22 =	vadd.f32 v31, v22;
	v34 =	vld.idx.msk [tilespmem:v38+s21+$0x0], $0xffff  }
0xc5: {  	v18 =	vadd.f32 v30, v18;
	v30 =	vmul.f32 v32, v45;
	v31 =	vld.idx.msk [tilespmem:v38+s22+$0x0], $0xffff  }
0xc6: {  	v35 =	vmul.f32 v35, v45;
	v32 =	vld.idx.msk [tilespmem:v38+s23+$0x0], $0xffff  }
0xc7: {  	v13 =	vadd.f32 v30, v13;
	v29 =	vmul.f32 v29, v10;
	v37 =	vld.idx.msk [tilespmem:v39+s21+$0x0], $0xffff  }
0xc8: {  	v12 =	vadd.f32 v35, v12;
	v10 =	vmov v36;
	v30 =	vld.idx.msk [tilespmem:v39+s22+$0x0], $0xffff  }
0xc9: {  	v33 =	vmul.f32 v33, v10;
	v11 =	vadd.f32 v29, v11;
	v35 =	vld.idx.msk [tilespmem:v39+s23+$0x0], $0xffff  }
0xca: {  	v36 =	vld.idx.msk [tilespmem:v42+s21+$0x0], $0xffff  }
0xcb: {  	v29 =	vmul.f32 v31, v34;
	v9 =	vadd.f32 v33, v9;
	v38 =	vld.idx.msk [tilespmem:v42+s22+$0x0], $0xffff  }
0xcc: {  	v31 =	vmul.f32 v32, v34;
	v33 =	vld.idx.msk [tilespmem:v42+s23+$0x0], $0xffff  }
0xcd: {  	v19 =	vadd.f32 v29, v19;
	v29 =	vld.idx.msk [tilespmem:v43+s21+$0x0], $0xffff  }
0xce: {  	v20 =	vadd.f32 v31, v20;
	v30 =	vmul.f32 v30, v37;
	v39 =	vld.idx.msk [tilespmem:v43+s22+$0x0], $0xffff  }
0xcf: {  	v34 =	vmul.f32 v35, v37;
	v32 =	vld.idx.msk [tilespmem:v43+s23+$0x0], $0xffff  }
.Ltmp1:
0xd0: {  	v21 =	vadd.f32 v30, v21;
	v31 =	vld.idx.msk [tilespmem:v44+s21+$0x0], $0xffff;
	(pc) =	sbr.rel @p1 .LBB2_5-.Ltmp1, $4  }
0xd1: {  	v17 =	vadd.f32 v34, v17;
	v30 =	vmul.f32 v38, v36;
	v34 =	vld.idx.msk [tilespmem:v44+s22+$0x0], $0xffff  }
0xd2: {  	v33 =	vmul.f32 v33, v36;
	v35 =	vld.idx.msk [tilespmem:v44+s23+$0x0], $0xffff  }
0xd3: {  	v36 =	vadd.s32 s2, v0;
	v16 =	vadd.f32 v30, v16;
	v30 =	vld.idx.msk [tilespmem:v28+s21+$0x0], $0xffff  }
0xd4: {  	s2 =	sadd.s32 $0x1, s2;
	v37 =	vand.u32 $0x7F, v36;
	v14 =	vadd.f32 v33, v14;
	v36 =	vmul.f32 v39, v29;
	v33 =	vld.idx.msk [tilespmem:v28+s22+$0x0], $0xffff  }
0xd5: {  	_ =	sdelay $0x3  }
0xd6: {  	v38 =	vor.u32 v8, v37;
	v28 =	vld.idx.msk [tilespmem:v28+s23+$0x0], $0xffff  }
0xd7: {  	v39 =	vld.idx.msk [tilespmem:v27+s21+$0x0], $0xffff  }
0xd8: {  	v40 =	vor.u32 v1, v37;
	v41 =	vld.idx.msk [tilespmem:v27+s22+$0x0], $0xffff  }
0xd9: {  	v27 =	vld.idx.msk [tilespmem:v27+s23+$0x0], $0xffff  }
0xda: {  	v23 =	vld.idx.msk [tilespmem:v23+s22+$0x0], $0xffff  }
0xdb: {  	v42 =	vor.u32 v2, v37;
	v43 =	vld.idx.msk [tilespmem:v38+s21+$0x0], $0xffff  }
0xdc: {  	v44 =	vld.idx.msk [tilespmem:v38+s23+$0x0], $0xffff  }
0xdd: {  	v45 =	vld.idx.msk [tilespmem:v40+s21+$0x0], $0xffff  }
0xde: {  	v46 =	vor.u32 v3, v37;
	v47 =	vld.idx.msk [tilespmem:v40+s22+$0x0], $0xffff  }
0xdf: {  	v40 =	vld.idx.msk [tilespmem:v40+s23+$0x0], $0xffff  }
0xe0: {  	v48 =	vld.idx.msk [tilespmem:v42+s21+$0x0], $0xffff  }
0xe1: {  	v49 =	vor.u32 v4, v37;
	v50 =	vld.idx.msk [tilespmem:v42+s22+$0x0], $0xffff  }
0xe2: {  	v42 =	vld.idx.msk [tilespmem:v42+s23+$0x0], $0xffff  }
0xe3: {  	v51 =	vld.idx.msk [tilespmem:v46+s21+$0x0], $0xffff  }
0xe4: {  	v52 =	vor.u32 v5, v37;
	v53 =	vld.idx.msk [tilespmem:v46+s22+$0x0], $0xffff  }
0xe5: {  	v46 =	vld.idx.msk [tilespmem:v46+s23+$0x0], $0xffff  }
0xe6: {  	v54 =	vld.idx.msk [tilespmem:v49+s21+$0x0], $0xffff  }
0xe7: {  	v55 =	vor.u32 v6, v37;
	v56 =	vld.idx.msk [tilespmem:v49+s22+$0x0], $0xffff  }
0xe8: {  	v49 =	vld.idx.msk [tilespmem:v49+s23+$0x0], $0xffff  }
0xe9: {  	v57 =	vld.idx.msk [tilespmem:v52+s21+$0x0], $0xffff  }
0xea: {  	v37 =	vor.u32 v7, v37;
	v58 =	vld.idx.msk [tilespmem:v52+s22+$0x0], $0xffff  }
0xeb: {  	v52 =	vld.idx.msk [tilespmem:v52+s23+$0x0], $0xffff  }
0xec: {  	v59 =	vld.idx.msk [tilespmem:v55+s21+$0x0], $0xffff  }
0xed: {  	v29 =	vmul.f32 v32, v29;
	v34 =	vmul.f32 v34, v31;
	v60 =	vld.idx.msk [tilespmem:v55+s22+$0x0], $0xffff  }
0xee: {  	v31 =	vmul.f32 v35, v31;
	v32 =	vld.idx.msk [tilespmem:v55+s23+$0x0], $0xffff;
	v47 =	vmul.f32 v47, v45  }
0xef: {  	v15 =	vadd.f32 v36, v15;
	v25 =	vadd.f32 v34, v25;
	v55 =	vld.idx.msk [tilespmem:v37+s21+$0x0], $0xffff;
	v45 =	vmul.f32 v40, v45  }
0xf0: {  	v24 =	vadd.f32 v31, v24;
	v61 =	vld.idx.msk [tilespmem:v37+s22+$0x0], $0xffff;
	v62 =	vmul.f32 v50, v48;
	v19 =	vadd.f32 v47, v19  }
0xf1: {  	v37 =	vld.idx.msk [tilespmem:v37+s23+$0x0], $0xffff;
	v28 =	vmul.f32 v28, v30;
	v63 =	vmul.f32 v42, v48;
	v20 =	vadd.f32 v45, v20  }
0xf2: {  	v40 =	vld.idx.msk [tilespmem:v38+s22+$0x0], $0xffff;
	v42 =	vmul.f32 v53, v51;
	v21 =	vadd.f32 v62, v21;
	[tilespmem:s30+$0x18600] =	vst v19  }
0xf3: {  	v48 =	vmul.f32 v49, v54;
	v50 =	vmul.f32 v58, v57;
	v17 =	vadd.f32 v63, v17;
	[tilespmem:s30+$0x18800] =	vst v20  }
0xf4: {  	v49 =	vadd.f32 v28, v18;
	v52 =	vmul.f32 v52, v57;
	v16 =	vadd.f32 v42, v16;
	[tilespmem:s29+$0x18690] =	vst v21  }
0xf5: {  	v53 =	vmul.f32 v27, v39;
	v57 =	vmul.f32 v32, v59;
	v18 =	vadd.f32 v50, v25;
	[tilespmem:s29+$0x18890] =	vst v17  }
0xf6: {  	v45 =	vmul.f32 v46, v51;
	v47 =	vmul.f32 v56, v54;
	v56 =	vadd.f32 v52, v24;
	[tilespmem:s29+$0x186A0] =	vst v16  }
0xf7: {  	v54 =	vmul.f32 v60, v59;
	v59 =	vmul.f32 v61, v55;
	v60 =	vadd.f32 v57, v49;
	[tilespmem:s29+$0x186C0] =	vst v18  }
0xf8: {  	v12 =	vadd.f32 v53, v12;
	v61 =	vmul.f32 v37, v55;
	v14 =	vadd.f32 v45, v14;
	[tilespmem:s29+$0x188C0] =	vst v56  }
0xf9: {  	v46 =	vmul.f32 v33, v30;
	v63 =	vmul.f32 v44, v43;
	v15 =	vadd.f32 v47, v15;
	[tilespmem:s29+$0x188D0] =	vst v60  }
0xfa: {  	v26 =	vadd.f32 v29, v26;
	v51 =	vmul.f32 v41, v39;
	v12 =	vadd.f32 v61, v12;
	[tilespmem:s29+$0x188A0] =	vst v14  }
0xfb: {  	v10 =	vmul.f32 v23, v10;
	v20 =	vadd.f32 v46, v22;
	v9 =	vadd.f32 v63, v9;
	[tilespmem:s29+$0x186B0] =	vst v15  }
0xfc: {  	v13 =	vadd.f32 v51, v13;
	v21 =	vadd.f32 v48, v26;
	[tilespmem:s29+$0x188E0] =	vst v12  }
0xfd: {  	v10 =	vadd.f32 v10, v11;
	v62 =	vmul.f32 v40, v43;
	v58 =	vadd.f32 v54, v20;
	[tilespmem:s29+$0x188F0] =	vst v9  }
0xfe: {  	v11 =	vadd.f32 v59, v13;
	[tilespmem:s29+$0x188B0] =	vst v21  }
0xff: {  	v10 =	vadd.f32 v62, v10;
	[tilespmem:s29+$0x186D0] =	vst v58  }
0x100: {  	[tilespmem:s29+$0x186E0] =	vst v11  }
0x101: {  	s2 =	sadd.s32 $0x18600, s30;
	s9 =	sadd.s32 s6, s31;
	[tilespmem:s29+$0x186F0] =	vst v10  }
0x102: {  	[hbm4b:s9+s8] =	stream.linear.scatter [tilespmem:s2], [sflag:$0x3], $0x80, $0x38;
	[tilespmem:$0x18A00] =	vst v63  }
0x103: {  	s31 =	sadd.s32 s7, s31;
	s30 =	sadd.s32 $0x18800, s30  }
0x104: {  	[hbm4b:s31+s8] =	stream.linear.scatter [tilespmem:s30], [sflag:$0x3], $0x80, $0x38;
	[tilespmem:$0x18A00] =	vst v63  }
0x105: {  	_ =	swait.ge [sflag:s26], $0x80  }
0x106: {  	[sflag:s26] =	ssyncset.done $0x0  }
0x107: {  	[sflag:s26] =	ssyncadd.s32 $0xFFFFFF80  }
0x108: {  	_ =	swait.ge [sflag:s26], $0x80  }
0x109: {  	[sflag:s26] =	ssyncset.done $0x0  }
0x10a: {  	[sflag:s26] =	ssyncadd.s32 $0xFFFFFF80  }
0x10b: {  	_ =	swait.ge [sflag:s26], $0x80  }
.Ltmp2:
0x10c: {  	[sflag:s26] =	ssyncset.done $0x0;
	(pc) =	sbr.rel @p0 .LBB2_2-.Ltmp2, $4  }
0x10d: {  	[sflag:s26] =	ssyncadd.s32 $0xFFFFFF80  }
0x10e: {  	_ =	swait.ge [sflag:s26], $0x80  }
0x10f: {  	[sflag:s26] =	ssyncset.done $0x0  }
0x110: {  	p1 =	por $0x0, $0x0;
	s29 =	simm.s32 $0x100;
	[sflag:s26] =	ssyncadd.s32 $0xFFFFFF80  }
0x111: {  	s9 =	rddreg [dreg:$0x9]  }
0x112: {  	s2 =	rddreg [dreg:$0x8];
	s9 =	sadd.s32 $0x1, s9  }
0x113: {  	p0 =	sne.s32 s9, s2  }
.Ltmp3:
0x114: {  	_ = 	snop;
	(pc) =	sbr.rel @p0 .LBB2_1-.Ltmp3, $1  }
0x115: {  	_ =	sdelay $0x3  }
0x116: {  	_ =	sfence.sel $0x180000  }
0x117: {  	[bflag:$0x0] =	sbarrier.arrive $0xFFFF  }
0x118: {  	_ =	strace $0x90000047  }
0x119: {  	s0 =	stileid.u32;
	[bflag:$0x2] =	sbarrier.arrive $0xFFFF  }
0x11a: {  	p0 =	sne.s32 s0, $0x0;
	s0 =	rddreg [dreg:$0x7]  }
0x11b: {  	s0 =	sadd.s32 @!p0 $0x100000, s0  }
0x11c: {  	[sflag:s0] =	ssyncadd.tile.s32 @!p0 $0x1;
	_ =	shalt  }
.Lfunc_end2:
_tile_overlayer_lowered:
.L_overlay_start_2:
0x11d: {  	(tag) =	ssettag $0x2  }
0x11e: {  	s0 =	rddreg [dreg:$0x0];
	s2 =	stileid.u32  }
0x11f: {  	s1 =	rddreg [dreg:$0x1];
	p0 =	sne.s32 s2, $0x0  }
0x120: {  	s3 =	rddreg [dreg:$0x2];
	[bflag:$0x3] =	sbarrier.arrive $0xFFFF;
	s2 =	simm.s32 @!p0 $0x1C04  }
0x121: {  	[timem:s3], [sflag:s2] =	dma.local @!p0 [hbm:s0], s1  }
0x122: {  	s0 =	simm.s32 @!p0 $0x4  }
0x123: {  	_ =	swait.ge @!p0 [sflag:s0], s1  }
0x124: {  	s1 =	ssub.s32 @!p0 $0x0, s1;
	[sflag:s0] =	ssyncset.done @!p0 $0x0  }
0x125: {  	[sflag:s0] =	ssyncadd.s32 @!p0 s1  }
0x126: {  	[bflag:$0x3] =	sbarrier.arrive $0xFFFF  }
0x127: {  	_ =	shalt  }

</sc_bundles>
